<compile_context>
chip_gen: v7x
topology: tpu7x:2x2x1
jax: 0.10.2.dev20260603
libtpu: 0.0.44.dev20260713+nightly
codegen_flags: <defaults>
</compile_context>

<pallas_src>
import jax
import jax.numpy as jnp
from jax import lax
from jax.experimental import pallas as pl
from jax.experimental.pallas import tpu as pltpu
from jax.experimental.pallas import tpu_sc as plsc

B, C, H, W = 4, 96, 384, 384
L = 384
NC, NS = 2, 16
NCH = C // 8
ROWS = 8
NCHUNK = H // ROWS
NV = ROWS * W // 16
LP = L + 8
ACC = NCH * LP


def _body(inp_hbm, idx_hbm, cnt_hbm, out_hbm,
          ids_v, in_v, acc_v, cnt_v, sem0, sem1):
    wid = lax.axis_index("c") * NS + lax.axis_index("s")
    b = wid // 8
    cg = wid % 8
    row0 = b * C + cg * NCH
    sems = (sem0, sem1)

    def zero(i, carry):
        acc_v[pl.ds(i * 16, 16)] = jnp.zeros((16,), jnp.float32)
        return carry
    lax.fori_loop(0, ACC // 16, zero, 0)

    pltpu.sync_copy(cnt_hbm.at[pl.ds(b * L, L)], cnt_v)

    def _descs(t, s):
        ci = lax.rem(t + cg * (NCHUNK // 8), NCHUNK)
        h0 = ci * ROWS
        return [
            pltpu.make_async_copy(
                idx_hbm.at[b, pl.ds(h0, ROWS), :], ids_v.at[s], sems[s]),
            pltpu.make_async_copy(
                inp_hbm.at[b, pl.ds(cg * NCH, NCH), pl.ds(h0, ROWS), :],
                in_v.at[s], sems[s]),
        ]

    def fire(t, s):
        for d in _descs(t, s):
            d.start()

    def wait(t, s):
        for d in _descs(t, s):
            d.wait()

    def compute(s):
        @plsc.parallel_loop(0, NV, unroll=8)
        def vec(i):
            r = i // (W // 16)
            cw = (i % (W // 16)) * 16
            ivr = ids_v[s, r, pl.ds(cw, 16)]
            mv = ivr >= 0
            iv = jnp.bitwise_and(ivr, 0x1FF)
            for j in range(NCH):
                x = in_v[s, j, r, pl.ds(cw, 16)]
                plsc.addupdate_scatter(
                    acc_v.at[pl.ds(j * LP, L)], [iv], x, mask=mv)

    fire(0, 0)
    fire(1, 1)

    def outer(g, carry):
        for s in range(2):
            t = g * 2 + s
            wait(t, s)
            compute(s)

            @pl.when(t + 2 < NCHUNK)
            def _():
                fire(t + 2, s)
        return carry
    lax.fori_loop(0, NCHUNK // 2, outer, 0)

    def fin(i, carry):
        j = i // (L // 16)
        m = lax.rem(i, L // 16) * 16
        a = acc_v[pl.ds(j * LP + m, 16)]
        cnt = cnt_v[pl.ds(m, 16)]
        acc_v[pl.ds(i * 16, 16)] = a / cnt
        return carry
    lax.fori_loop(0, NCH * (L // 16), fin, 0)

    pltpu.sync_copy(acc_v.at[pl.ds(0, NCH * L)],
                    out_hbm.at[pl.ds(row0 * L, NCH * L)])


@jax.jit
def _run(inp, idx, cnt):
    mesh = plsc.VectorSubcoreMesh(core_axis_name="c", subcore_axis_name="s")
    return pl.kernel(
        _body,
        out_type=jax.ShapeDtypeStruct((B * C * L,), jnp.float32),
        mesh=mesh,
        compiler_params=pltpu.CompilerParams(needs_layout_passes=False),
        scratch_types=[
            pltpu.VMEM((2, ROWS, W), jnp.int32),
            pltpu.VMEM((2, NCH, ROWS, W), jnp.float32),
            pltpu.VMEM((ACC,), jnp.float32),
            pltpu.VMEM((L,), jnp.float32),
            pltpu.SemaphoreType.DMA,
            pltpu.SemaphoreType.DMA,
        ],
    )(inp, idx, cnt)


def kernel(input, output_count, indmap, valid_maps):
    idx = indmap.astype(jnp.int32)
    vld = valid_maps.astype(jnp.int32)
    idx = jnp.where(vld > 0, idx, idx | jnp.int32(-2147483648))
    out = _run(input, idx, output_count.reshape(B * L))
    return out.reshape(B, C, L)

# --- scband reference (transcript-rebuilt; emitter-appended) ---
"""Pipeline reference for scband-vline-pooling2-21509196218384 (READ-ONLY COPY).

The authoritative reference and input builder live on the scoring server;
editing this copy changes nothing except your own understanding.
"""

import jax, jax.numpy as jnp
import numpy as np


def setup_inputs(seed: int = 0) -> dict:
    key = jax.random.key(seed)
    k1, k2, k3 = jax.random.split(key, 3)
    B, C, H, W = 4, 96, 384, 384
    L = 384
    inp = jax.random.normal(k1, (B, C, H, W), dtype=jnp.float32)
    output_count = jnp.ones((B, L), dtype=jnp.float32)
    indmap = jax.random.randint(k2, (B, H, W), 0, L, dtype=jnp.int64)
    valid_maps = jax.random.randint(k3, (B, H, W), 0, 2, dtype=jnp.int64)
    return {"input": inp, "output_count": output_count, "indmap": indmap, "valid_maps": valid_maps}


def reference(input, output_count, indmap, valid_maps):
    B, C, H, W = input.shape
    L = output_count.shape[1]
    # mask invalid pixels
    masked = input * valid_maps[:, None, :, :].astype(input.dtype)
    # expand indmap over channel dim: [B, C, H, W]
    idx = jnp.broadcast_to(indmap[:, None, :, :], (B, C, H, W))
    # flat index into [B*C*L] accumulator: ((b*C + c)*L + indmap)
    base = (jnp.arange(B, dtype=idx.dtype)[:, None] * C + jnp.arange(C, dtype=idx.dtype)[None, :]) * L
    flat_idx = base[:, :, None, None] + idx
    out = jnp.zeros((B * C * L,), dtype=input.dtype).at[flat_idx.reshape(-1)].add(masked.reshape(-1))
    out = out.reshape(B, C, L)
    count = jnp.broadcast_to(output_count[:, None, :], (B, C, L)).astype(input.dtype)
    return out / count

if __name__ == "__main__":
    import jax
    _d = setup_inputs()
    print(jax.jit(kernel)(*tuple(_d.values())))

</pallas_src>

<mosaic_0001>
#map = affine_map<(d0, d1) -> (0, 0, 0, 0)>
#map1 = affine_map<(d0, d1) -> (0, 0, 0)>
#map2 = affine_map<(d0, d1) -> (0)>
module attributes {stable_mosaic.version = 14 : i64} {
  func.func @_body(%arg0: i32, %arg1: i32, %arg2: memref<4x96x384x384xf32, #tpu.memory_space<hbm>>, %arg3: memref<4x384x384xi32, #tpu.memory_space<hbm>>, %arg4: memref<1536xf32, #tpu.memory_space<hbm>>, %arg5: memref<147456xf32, #tpu.memory_space<hbm>>, %arg6: memref<2x8x384xi32, #tpu.memory_space<vmem>>, %arg7: memref<2x12x8x384xf32, #tpu.memory_space<vmem>>, %arg8: memref<4704xf32, #tpu.memory_space<vmem>>, %arg9: memref<384xf32, #tpu.memory_space<vmem>>, %arg10: memref<!tpu.dma_semaphore, #tpu.memory_space<semaphore_mem>>, %arg11: memref<!tpu.dma_semaphore, #tpu.memory_space<semaphore_mem>>) attributes {dimension_semantics = [#tpu.dimension_semantics<core_parallel>, #tpu.dimension_semantics<subcore_parallel>], iteration_bounds = array<i64: 2, 16>, scalar_prefetch = 0 : i64, scratch_operands = 6 : i64, tpu.core_type = #tpu.core_type<sc_vector_subcore>, window_params = [{transform_indices = #map}, {transform_indices = #map1}, {transform_indices = #map2}, {transform_indices = #map2}]} {
    %mul3A = arith.constant 16 : i32
    %mul3A_0 = arith.muli %arg0, %mul3A : i32
    %add3A = arith.addi %mul3A_0, %arg1 : i32
    %jit3A = arith.constant 8 : i32
    %div3A = arith.divsi %add3A, %jit3A : i32
    %sign3A = arith.constant 0 : i32
    %sign3A_1 = arith.cmpi sgt, %add3A, %sign3A : i32
    %sign3A_2 = arith.extui %sign3A_1 : i1 to i32
    %sign3A_3 = arith.constant 0 : i32
    %sign3A_4 = arith.cmpi slt, %add3A, %sign3A_3 : i32
    %sign3A_5 = arith.extui %sign3A_4 : i1 to i32
    %sign3A_6 = arith.subi %sign3A_2, %sign3A_5 : i32
    %sign3A_7 = arith.constant 0 : i32
    %sign3A_8 = arith.cmpi sgt, %jit3A, %sign3A_7 : i32
    %sign3A_9 = arith.extui %sign3A_8 : i1 to i32
    %sign3A_10 = arith.constant 0 : i32
    %sign3A_11 = arith.cmpi slt, %jit3A, %sign3A_10 : i32
    %sign3A_12 = arith.extui %sign3A_11 : i1 to i32
    %sign3A_13 = arith.subi %sign3A_9, %sign3A_12 : i32
    %ne3A = arith.cmpi ne, %sign3A_6, %sign3A_13 : i32
    %rem3A = arith.remsi %add3A, %jit3A : i32
    %ne3A_14 = arith.constant 0 : i32
    %ne3A_15 = arith.cmpi ne, %rem3A, %ne3A_14 : i32
    %and3A = arith.andi %ne3A, %ne3A_15 : i1
    %sub3A = arith.constant 1 : i32
    %sub3A_16 = arith.subi %div3A, %sub3A : i32
    %select_n3A = arith.select %and3A, %sub3A_16, %div3A : i32
    %jit3A_17 = arith.constant 8 : i32
    %eq3A = arith.constant 0 : i32
    %eq3A_18 = arith.cmpi eq, %jit3A_17, %eq3A : i32
    %jit3A_19 = arith.constant 1 : i32
    %select_n3A_20 = arith.select %eq3A_18, %jit3A_19, %jit3A_17 : i32
    %rem3A_21 = arith.remsi %add3A, %select_n3A_20 : i32
    %ne3A_22 = arith.constant 0 : i32
    %ne3A_23 = arith.cmpi ne, %rem3A_21, %ne3A_22 : i32
    %lt3A = arith.constant 0 : i32
    %lt3A_24 = arith.cmpi slt, %rem3A_21, %lt3A : i32
    %lt3A_25 = arith.constant 0 : i32
    %lt3A_26 = arith.cmpi slt, %select_n3A_20, %lt3A_25 : i32
    %ne3A_27 = arith.xori %lt3A_24, %lt3A_26 : i1
    %and3A_28 = arith.andi %ne3A_27, %ne3A_23 : i1
    %add3A_29 = arith.addi %rem3A_21, %select_n3A_20 : i32
    %select_n3A_30 = arith.select %and3A_28, %add3A_29, %rem3A_21 : i32
    %mul3A_31 = arith.constant 96 : i32
    %mul3A_32 = arith.muli %select_n3A, %mul3A_31 : i32
    %mul3A_33 = arith.constant 12 : i32
    %mul3A_34 = arith.muli %select_n3A_30, %mul3A_33 : i32
    %add3A_35 = arith.addi %mul3A_32, %mul3A_34 : i32
    %scan3A = arith.constant 0 : i32
    %scan3A_36 = arith.constant 0 : i32
    %scan3A_37 = arith.constant 294 : i32
    %scan3A_38 = arith.addi %scan3A_36, %scan3A_37 : i32
    %scan3A_39 = arith.constant 1 : i32
    scf.for %scan3A_140 = %scan3A_36 to %scan3A_38 step %scan3A_39  : i32 {
      %broadcast_in_dim3A = arith.constant 0.000000e+00 : f32
      %broadcast_in_dim3A_141 = vector.broadcast %broadcast_in_dim3A : f32 to vector<16xf32>
      %mul3A_142 = arith.constant 16 : i32
      %mul3A_143 = arith.muli %scan3A_140, %mul3A_142 : i32
      %swap3A = arith.index_cast %mul3A_143 : i32 to index
      %swap3A_144 = tpu.vector_load %arg8[%swap3A] {strides = array<i32>} : memref<4704xf32, #tpu.memory_space<vmem>>, vector<16xf32>,
      tpu.vector_store %arg8[%swap3A], %broadcast_in_dim3A_141 {strides = array<i32>} : memref<4704xf32, #tpu.memory_space<vmem>>, vector<16xf32>,
    }
    %scan3A_40 = arith.constant 294 : i32
    %mul3A_41 = arith.constant 384 : i32
    %mul3A_42 = arith.muli %select_n3A, %mul3A_41 : i32
    "tpu.region"() ({
      %run_scoped3A = tpu.sem_alloc : memref<!tpu.dma_semaphore, #tpu.memory_space<semaphore_mem>>
      %dma_start3A_140 = tpu.memref_slice %arg4[%mul3A_42] : memref<1536xf32, #tpu.memory_space<hbm>> -> memref<384xf32, #tpu.memory_space<hbm>>
      %dma_start3A_141 = tpu.memref_slice %arg4[%mul3A_42] : memref<1536xf32, #tpu.memory_space<hbm>> -> memref<384xf32, #tpu.memory_space<hbm>>
      tpu.enqueue_dma source(%dma_start3A_141 : memref<384xf32, #tpu.memory_space<hbm>>) target(%arg9 : memref<384xf32, #tpu.memory_space<vmem>>) target_semaphore(%run_scoped3A : memref<!tpu.dma_semaphore, #tpu.memory_space<semaphore_mem>>)
      %dma_wait3A = tpu.memref_slice %arg4[%mul3A_42] : memref<1536xf32, #tpu.memory_space<hbm>> -> memref<384xf32, #tpu.memory_space<hbm>>
      %dma_wait3A_142 = tpu.memref_slice %arg4[%mul3A_42] : memref<1536xf32, #tpu.memory_space<hbm>> -> memref<384xf32, #tpu.memory_space<hbm>>
      tpu.wait_dma2 semaphore(%run_scoped3A : memref<!tpu.dma_semaphore, #tpu.memory_space<semaphore_mem>>) src(%dma_wait3A_142 : memref<384xf32, #tpu.memory_space<hbm>>) dst(%arg9 : memref<384xf32, #tpu.memory_space<vmem>>)
      tpu.yield
    }) : () -> ()
    %mul3A_43 = arith.constant 6 : i32
    %mul3A_44 = arith.muli %select_n3A_30, %mul3A_43 : i32
    %add3A_45 = arith.constant 0 : i32
    %add3A_46 = arith.addi %add3A_45, %mul3A_44 : i32
    %rem3A_47 = arith.constant 48 : i32
    %rem3A_48 = arith.remsi %add3A_46, %rem3A_47 : i32
    %mul3A_49 = arith.constant 8 : i32
    %mul3A_50 = arith.muli %rem3A_48, %mul3A_49 : i32
    %mul3A_51 = arith.constant 12 : i32
    %mul3A_52 = arith.muli %select_n3A_30, %mul3A_51 : i32
    %dma_start3A = arith.constant 0 : i32
    %dma_start3A_53 = arith.constant 0 : i32
    %dma_start3A_54 = arith.constant 0 : i32
    %dma_start3A_55 = tpu.memref_slice %arg6[%dma_start3A, %dma_start3A_53, %dma_start3A_54] : memref<2x8x384xi32, #tpu.memory_space<vmem>> -> memref<1x8x384xi32, #tpu.memory_space<vmem>>
    %dma_start3A_56 = tpu.memref_squeeze %dma_start3A_55 : memref<1x8x384xi32, #tpu.memory_space<vmem>> -> memref<8x384xi32, #tpu.memory_space<vmem>>
    %dma_start3A_57 = arith.constant 0 : i32
    %dma_start3A_58 = tpu.memref_slice %arg3[%select_n3A, %mul3A_50, %dma_start3A_57] : memref<4x384x384xi32, #tpu.memory_space<hbm>> -> memref<1x8x384xi32, #tpu.memory_space<hbm>>
    %dma_start3A_59 = tpu.memref_squeeze %dma_start3A_58 : memref<1x8x384xi32, #tpu.memory_space<hbm>> -> memref<8x384xi32, #tpu.memory_space<hbm>>
    %dma_start3A_60 = arith.constant 0 : i32
    %dma_start3A_61 = arith.constant 0 : i32
    %dma_start3A_62 = tpu.memref_slice %arg6[%dma_start3A, %dma_start3A_60, %dma_start3A_61] : memref<2x8x384xi32, #tpu.memory_space<vmem>> -> memref<1x8x384xi32, #tpu.memory_space<vmem>>
    %dma_start3A_63 = tpu.memref_squeeze %dma_start3A_62 : memref<1x8x384xi32, #tpu.memory_space<vmem>> -> memref<8x384xi32, #tpu.memory_space<vmem>>
    %dma_start3A_64 = arith.constant 0 : i32
    %dma_start3A_65 = tpu.memref_slice %arg3[%select_n3A, %mul3A_50, %dma_start3A_64] : memref<4x384x384xi32, #tpu.memory_space<hbm>> -> memref<1x8x384xi32, #tpu.memory_space<hbm>>
    %dma_start3A_66 = tpu.memref_squeeze %dma_start3A_65 : memref<1x8x384xi32, #tpu.memory_space<hbm>> -> memref<8x384xi32, #tpu.memory_space<hbm>>
    tpu.enqueue_dma source(%dma_start3A_66 : memref<8x384xi32, #tpu.memory_space<hbm>>) target(%dma_start3A_63 : memref<8x384xi32, #tpu.memory_space<vmem>>) target_semaphore(%arg10 : memref<!tpu.dma_semaphore, #tpu.memory_space<semaphore_mem>>)
    %dma_start3A_67 = arith.constant 0 : i32
    %dma_start3A_68 = arith.constant 0 : i32
    %dma_start3A_69 = arith.constant 0 : i32
    %dma_start3A_70 = arith.constant 0 : i32
    %dma_start3A_71 = tpu.memref_slice %arg7[%dma_start3A_67, %dma_start3A_68, %dma_start3A_69, %dma_start3A_70] : memref<2x12x8x384xf32, #tpu.memory_space<vmem>> -> memref<1x12x8x384xf32, #tpu.memory_space<vmem>>
    %dma_start3A_72 = tpu.memref_squeeze %dma_start3A_71 : memref<1x12x8x384xf32, #tpu.memory_space<vmem>> -> memref<12x8x384xf32, #tpu.memory_space<vmem>>
    %dma_start3A_73 = arith.constant 0 : i32
    %dma_start3A_74 = tpu.memref_slice %arg2[%select_n3A, %mul3A_52, %mul3A_50, %dma_start3A_73] : memref<4x96x384x384xf32, #tpu.memory_space<hbm>> -> memref<1x12x8x384xf32, #tpu.memory_space<hbm>>
    %dma_start3A_75 = tpu.memref_squeeze %dma_start3A_74 : memref<1x12x8x384xf32, #tpu.memory_space<hbm>> -> memref<12x8x384xf32, #tpu.memory_space<hbm>>
    %dma_start3A_76 = arith.constant 0 : i32
    %dma_start3A_77 = arith.constant 0 : i32
    %dma_start3A_78 = arith.constant 0 : i32
    %dma_start3A_79 = tpu.memref_slice %arg7[%dma_start3A_67, %dma_start3A_76, %dma_start3A_77, %dma_start3A_78] : memref<2x12x8x384xf32, #tpu.memory_space<vmem>> -> memref<1x12x8x384xf32, #tpu.memory_space<vmem>>
    %dma_start3A_80 = tpu.memref_squeeze %dma_start3A_79 : memref<1x12x8x384xf32, #tpu.memory_space<vmem>> -> memref<12x8x384xf32, #tpu.memory_space<vmem>>
    %dma_start3A_81 = arith.constant 0 : i32
    %dma_start3A_82 = tpu.memref_slice %arg2[%select_n3A, %mul3A_52, %mul3A_50, %dma_start3A_81] : memref<4x96x384x384xf32, #tpu.memory_space<hbm>> -> memref<1x12x8x384xf32, #tpu.memory_space<hbm>>
    %dma_start3A_83 = tpu.memref_squeeze %dma_start3A_82 : memref<1x12x8x384xf32, #tpu.memory_space<hbm>> -> memref<12x8x384xf32, #tpu.memory_space<hbm>>
    tpu.enqueue_dma source(%dma_start3A_83 : memref<12x8x384xf32, #tpu.memory_space<hbm>>) target(%dma_start3A_80 : memref<12x8x384xf32, #tpu.memory_space<vmem>>) target_semaphore(%arg10 : memref<!tpu.dma_semaphore, #tpu.memory_space<semaphore_mem>>)
    %mul3A_84 = arith.constant 6 : i32
    %mul3A_85 = arith.muli %select_n3A_30, %mul3A_84 : i32
    %add3A_86 = arith.constant 1 : i32
    %add3A_87 = arith.addi %add3A_86, %mul3A_85 : i32
    %rem3A_88 = arith.constant 48 : i32
    %rem3A_89 = arith.remsi %add3A_87, %rem3A_88 : i32
    %mul3A_90 = arith.constant 8 : i32
    %mul3A_91 = arith.muli %rem3A_89, %mul3A_90 : i32
    %mul3A_92 = arith.constant 12 : i32
    %mul3A_93 = arith.muli %select_n3A_30, %mul3A_92 : i32
    %dma_start3A_94 = arith.constant 1 : i32
    %dma_start3A_95 = arith.constant 0 : i32
    %dma_start3A_96 = arith.constant 0 : i32
    %dma_start3A_97 = tpu.memref_slice %arg6[%dma_start3A_94, %dma_start3A_95, %dma_start3A_96] : memref<2x8x384xi32, #tpu.memory_space<vmem>> -> memref<1x8x384xi32, #tpu.memory_space<vmem>>
    %dma_start3A_98 = tpu.memref_squeeze %dma_start3A_97 : memref<1x8x384xi32, #tpu.memory_space<vmem>> -> memref<8x384xi32, #tpu.memory_space<vmem>>
    %dma_start3A_99 = arith.constant 0 : i32
    %dma_start3A_100 = tpu.memref_slice %arg3[%select_n3A, %mul3A_91, %dma_start3A_99] : memref<4x384x384xi32, #tpu.memory_space<hbm>> -> memref<1x8x384xi32, #tpu.memory_space<hbm>>
    %dma_start3A_101 = tpu.memref_squeeze %dma_start3A_100 : memref<1x8x384xi32, #tpu.memory_space<hbm>> -> memref<8x384xi32, #tpu.memory_space<hbm>>
    %dma_start3A_102 = arith.constant 0 : i32
    %dma_start3A_103 = arith.constant 0 : i32
    %dma_start3A_104 = tpu.memref_slice %arg6[%dma_start3A_94, %dma_start3A_102, %dma_start3A_103] : memref<2x8x384xi32, #tpu.memory_space<vmem>> -> memref<1x8x384xi32, #tpu.memory_space<vmem>>
    %dma_start3A_105 = tpu.memref_squeeze %dma_start3A_104 : memref<1x8x384xi32, #tpu.memory_space<vmem>> -> memref<8x384xi32, #tpu.memory_space<vmem>>
    %dma_start3A_106 = arith.constant 0 : i32
    %dma_start3A_107 = tpu.memref_slice %arg3[%select_n3A, %mul3A_91, %dma_start3A_106] : memref<4x384x384xi32, #tpu.memory_space<hbm>> -> memref<1x8x384xi32, #tpu.memory_space<hbm>>
    %dma_start3A_108 = tpu.memref_squeeze %dma_start3A_107 : memref<1x8x384xi32, #tpu.memory_space<hbm>> -> memref<8x384xi32, #tpu.memory_space<hbm>>
    tpu.enqueue_dma source(%dma_start3A_108 : memref<8x384xi32, #tpu.memory_space<hbm>>) target(%dma_start3A_105 : memref<8x384xi32, #tpu.memory_space<vmem>>) target_semaphore(%arg11 : memref<!tpu.dma_semaphore, #tpu.memory_space<semaphore_mem>>)
    %dma_start3A_109 = arith.constant 1 : i32
    %dma_start3A_110 = arith.constant 0 : i32
    %dma_start3A_111 = arith.constant 0 : i32
    %dma_start3A_112 = arith.constant 0 : i32
    %dma_start3A_113 = tpu.memref_slice %arg7[%dma_start3A_109, %dma_start3A_110, %dma_start3A_111, %dma_start3A_112] : memref<2x12x8x384xf32, #tpu.memory_space<vmem>> -> memref<1x12x8x384xf32, #tpu.memory_space<vmem>>
    %dma_start3A_114 = tpu.memref_squeeze %dma_start3A_113 : memref<1x12x8x384xf32, #tpu.memory_space<vmem>> -> memref<12x8x384xf32, #tpu.memory_space<vmem>>
    %dma_start3A_115 = arith.constant 0 : i32
    %dma_start3A_116 = tpu.memref_slice %arg2[%select_n3A, %mul3A_93, %mul3A_91, %dma_start3A_115] : memref<4x96x384x384xf32, #tpu.memory_space<hbm>> -> memref<1x12x8x384xf32, #tpu.memory_space<hbm>>
    %dma_start3A_117 = tpu.memref_squeeze %dma_start3A_116 : memref<1x12x8x384xf32, #tpu.memory_space<hbm>> -> memref<12x8x384xf32, #tpu.memory_space<hbm>>
    %dma_start3A_118 = arith.constant 0 : i32
    %dma_start3A_119 = arith.constant 0 : i32
    %dma_start3A_120 = arith.constant 0 : i32
    %dma_start3A_121 = tpu.memref_slice %arg7[%dma_start3A_109, %dma_start3A_118, %dma_start3A_119, %dma_start3A_120] : memref<2x12x8x384xf32, #tpu.memory_space<vmem>> -> memref<1x12x8x384xf32, #tpu.memory_space<vmem>>
    %dma_start3A_122 = tpu.memref_squeeze %dma_start3A_121 : memref<1x12x8x384xf32, #tpu.memory_space<vmem>> -> memref<12x8x384xf32, #tpu.memory_space<vmem>>
    %dma_start3A_123 = arith.constant 0 : i32
    %dma_start3A_124 = tpu.memref_slice %arg2[%select_n3A, %mul3A_93, %mul3A_91, %dma_start3A_123] : memref<4x96x384x384xf32, #tpu.memory_space<hbm>> -> memref<1x12x8x384xf32, #tpu.memory_space<hbm>>
    %dma_start3A_125 = tpu.memref_squeeze %dma_start3A_124 : memref<1x12x8x384xf32, #tpu.memory_space<hbm>> -> memref<12x8x384xf32, #tpu.memory_space<hbm>>
    tpu.enqueue_dma source(%dma_start3A_125 : memref<12x8x384xf32, #tpu.memory_space<hbm>>) target(%dma_start3A_122 : memref<12x8x384xf32, #tpu.memory_space<vmem>>) target_semaphore(%arg11 : memref<!tpu.dma_semaphore, #tpu.memory_space<semaphore_mem>>)
    %scan3A_126 = arith.constant 0 : i32
    %scan3A_127 = arith.constant 0 : i32
    %scan3A_128 = arith.constant 24 : i32
    %scan3A_129 = arith.addi %scan3A_127, %scan3A_128 : i32
    %scan3A_130 = arith.constant 1 : i32
    scf.for %scan3A_140 = %scan3A_127 to %scan3A_129 step %scan3A_130  : i32 {
      %mul3A_141 = arith.constant 2 : i32
      %mul3A_142 = arith.muli %scan3A_140, %mul3A_141 : i32
      %add3A_143 = arith.constant 0 : i32
      %add3A_144 = arith.addi %mul3A_142, %add3A_143 : i32
      %mul3A_145 = arith.constant 6 : i32
      %mul3A_146 = arith.muli %select_n3A_30, %mul3A_145 : i32
      %add3A_147 = arith.addi %add3A_144, %mul3A_146 : i32
      %rem3A_148 = arith.constant 48 : i32
      %rem3A_149 = arith.remsi %add3A_147, %rem3A_148 : i32
      %mul3A_150 = arith.constant 8 : i32
      %mul3A_151 = arith.muli %rem3A_149, %mul3A_150 : i32
      %mul3A_152 = arith.constant 12 : i32
      %mul3A_153 = arith.muli %select_n3A_30, %mul3A_152 : i32
      %dma_wait3A = arith.constant 0 : i32
      %dma_wait3A_154 = arith.constant 0 : i32
      %dma_wait3A_155 = arith.constant 0 : i32
      %dma_wait3A_156 = tpu.memref_slice %arg6[%dma_wait3A, %dma_wait3A_154, %dma_wait3A_155] : memref<2x8x384xi32, #tpu.memory_space<vmem>> -> memref<1x8x384xi32, #tpu.memory_space<vmem>>
      %dma_wait3A_157 = tpu.memref_squeeze %dma_wait3A_156 : memref<1x8x384xi32, #tpu.memory_space<vmem>> -> memref<8x384xi32, #tpu.memory_space<vmem>>
      %dma_wait3A_158 = arith.constant 0 : i32
      %dma_wait3A_159 = tpu.memref_slice %arg3[%select_n3A, %mul3A_151, %dma_wait3A_158] : memref<4x384x384xi32, #tpu.memory_space<hbm>> -> memref<1x8x384xi32, #tpu.memory_space<hbm>>
      %dma_wait3A_160 = tpu.memref_squeeze %dma_wait3A_159 : memref<1x8x384xi32, #tpu.memory_space<hbm>> -> memref<8x384xi32, #tpu.memory_space<hbm>>
      %dma_wait3A_161 = arith.constant 0 : i32
      %dma_wait3A_162 = arith.constant 0 : i32
      %dma_wait3A_163 = tpu.memref_slice %arg6[%dma_wait3A, %dma_wait3A_161, %dma_wait3A_162] : memref<2x8x384xi32, #tpu.memory_space<vmem>> -> memref<1x8x384xi32, #tpu.memory_space<vmem>>
      %dma_wait3A_164 = tpu.memref_squeeze %dma_wait3A_163 : memref<1x8x384xi32, #tpu.memory_space<vmem>> -> memref<8x384xi32, #tpu.memory_space<vmem>>
      %dma_wait3A_165 = arith.constant 0 : i32
      %dma_wait3A_166 = tpu.memref_slice %arg3[%select_n3A, %mul3A_151, %dma_wait3A_165] : memref<4x384x384xi32, #tpu.memory_space<hbm>> -> memref<1x8x384xi32, #tpu.memory_space<hbm>>
      %dma_wait3A_167 = tpu.memref_squeeze %dma_wait3A_166 : memref<1x8x384xi32, #tpu.memory_space<hbm>> -> memref<8x384xi32, #tpu.memory_space<hbm>>
      tpu.wait_dma2 semaphore(%arg10 : memref<!tpu.dma_semaphore, #tpu.memory_space<semaphore_mem>>) src(%dma_wait3A_167 : memref<8x384xi32, #tpu.memory_space<hbm>>) dst(%dma_wait3A_164 : memref<8x384xi32, #tpu.memory_space<vmem>>)
      %dma_wait3A_168 = arith.constant 0 : i32
      %dma_wait3A_169 = arith.constant 0 : i32
      %dma_wait3A_170 = arith.constant 0 : i32
      %dma_wait3A_171 = arith.constant 0 : i32
      %dma_wait3A_172 = tpu.memref_slice %arg7[%dma_wait3A_168, %dma_wait3A_169, %dma_wait3A_170, %dma_wait3A_171] : memref<2x12x8x384xf32, #tpu.memory_space<vmem>> -> memref<1x12x8x384xf32, #tpu.memory_space<vmem>>
      %dma_wait3A_173 = tpu.memref_squeeze %dma_wait3A_172 : memref<1x12x8x384xf32, #tpu.memory_space<vmem>> -> memref<12x8x384xf32, #tpu.memory_space<vmem>>
      %dma_wait3A_174 = arith.constant 0 : i32
      %dma_wait3A_175 = tpu.memref_slice %arg2[%select_n3A, %mul3A_153, %mul3A_151, %dma_wait3A_174] : memref<4x96x384x384xf32, #tpu.memory_space<hbm>> -> memref<1x12x8x384xf32, #tpu.memory_space<hbm>>
      %dma_wait3A_176 = tpu.memref_squeeze %dma_wait3A_175 : memref<1x12x8x384xf32, #tpu.memory_space<hbm>> -> memref<12x8x384xf32, #tpu.memory_space<hbm>>
      %dma_wait3A_177 = arith.constant 0 : i32
      %dma_wait3A_178 = arith.constant 0 : i32
      %dma_wait3A_179 = arith.constant 0 : i32
      %dma_wait3A_180 = tpu.memref_slice %arg7[%dma_wait3A_168, %dma_wait3A_177, %dma_wait3A_178, %dma_wait3A_179] : memref<2x12x8x384xf32, #tpu.memory_space<vmem>> -> memref<1x12x8x384xf32, #tpu.memory_space<vmem>>
      %dma_wait3A_181 = tpu.memref_squeeze %dma_wait3A_180 : memref<1x12x8x384xf32, #tpu.memory_space<vmem>> -> memref<12x8x384xf32, #tpu.memory_space<vmem>>
      %dma_wait3A_182 = arith.constant 0 : i32
      %dma_wait3A_183 = tpu.memref_slice %arg2[%select_n3A, %mul3A_153, %mul3A_151, %dma_wait3A_182] : memref<4x96x384x384xf32, #tpu.memory_space<hbm>> -> memref<1x12x8x384xf32, #tpu.memory_space<hbm>>
      %dma_wait3A_184 = tpu.memref_squeeze %dma_wait3A_183 : memref<1x12x8x384xf32, #tpu.memory_space<hbm>> -> memref<12x8x384xf32, #tpu.memory_space<hbm>>
      tpu.wait_dma2 semaphore(%arg10 : memref<!tpu.dma_semaphore, #tpu.memory_space<semaphore_mem>>) src(%dma_wait3A_184 : memref<12x8x384xf32, #tpu.memory_space<hbm>>) dst(%dma_wait3A_181 : memref<12x8x384xf32, #tpu.memory_space<vmem>>)
      %parallel_loop3A = arith.constant 0 : i32
      %parallel_loop3A_185 = arith.constant 192 : i32
      %parallel_loop3A_186 = arith.constant 1 : i32
      scf.for %parallel_loop3A_247 = %parallel_loop3A to %parallel_loop3A_185 step %parallel_loop3A_186  : i32 {
        %parallel_loop3A_248 = arith.constant 24 : i32
        %parallel_loop3A_249 = arith.divsi %parallel_loop3A_247, %parallel_loop3A_248 : i32
        %parallel_loop3A_250 = arith.constant 0 : i32
        %parallel_loop3A_251 = arith.cmpi sgt, %parallel_loop3A_247, %parallel_loop3A_250 : i32
        %parallel_loop3A_252 = arith.extui %parallel_loop3A_251 : i1 to i32
        %parallel_loop3A_253 = arith.constant 0 : i32
        %parallel_loop3A_254 = arith.cmpi slt, %parallel_loop3A_247, %parallel_loop3A_253 : i32
        %parallel_loop3A_255 = arith.extui %parallel_loop3A_254 : i1 to i32
        %parallel_loop3A_256 = arith.subi %parallel_loop3A_252, %parallel_loop3A_255 : i32
        %parallel_loop3A_257 = arith.constant 0 : i32
        %parallel_loop3A_258 = arith.cmpi sgt, %parallel_loop3A_248, %parallel_loop3A_257 : i32
        %parallel_loop3A_259 = arith.extui %parallel_loop3A_258 : i1 to i32
        %parallel_loop3A_260 = arith.constant 0 : i32
        %parallel_loop3A_261 = arith.cmpi slt, %parallel_loop3A_248, %parallel_loop3A_260 : i32
        %parallel_loop3A_262 = arith.extui %parallel_loop3A_261 : i1 to i32
        %parallel_loop3A_263 = arith.subi %parallel_loop3A_259, %parallel_loop3A_262 : i32
        %parallel_loop3A_264 = arith.cmpi ne, %parallel_loop3A_256, %parallel_loop3A_263 : i32
        %parallel_loop3A_265 = arith.remsi %parallel_loop3A_247, %parallel_loop3A_248 : i32
        %parallel_loop3A_266 = arith.constant 0 : i32
        %parallel_loop3A_267 = arith.cmpi ne, %parallel_loop3A_265, %parallel_loop3A_266 : i32
        %parallel_loop3A_268 = arith.andi %parallel_loop3A_264, %parallel_loop3A_267 : i1
        %parallel_loop3A_269 = arith.constant 1 : i32
        %parallel_loop3A_270 = arith.subi %parallel_loop3A_249, %parallel_loop3A_269 : i32
        %parallel_loop3A_271 = arith.select %parallel_loop3A_268, %parallel_loop3A_270, %parallel_loop3A_249 : i32
        %parallel_loop3A_272 = arith.constant 24 : i32
        %parallel_loop3A_273 = arith.constant 0 : i32
        %parallel_loop3A_274 = arith.cmpi eq, %parallel_loop3A_272, %parallel_loop3A_273 : i32
        %parallel_loop3A_275 = arith.constant 1 : i32
        %parallel_loop3A_276 = arith.select %parallel_loop3A_274, %parallel_loop3A_275, %parallel_loop3A_272 : i32
        %parallel_loop3A_277 = arith.remsi %parallel_loop3A_247, %parallel_loop3A_276 : i32
        %parallel_loop3A_278 = arith.constant 0 : i32
        %parallel_loop3A_279 = arith.cmpi ne, %parallel_loop3A_277, %parallel_loop3A_278 : i32
        %parallel_loop3A_280 = arith.constant 0 : i32
        %parallel_loop3A_281 = arith.cmpi slt, %parallel_loop3A_277, %parallel_loop3A_280 : i32
        %parallel_loop3A_282 = arith.constant 0 : i32
        %parallel_loop3A_283 = arith.cmpi slt, %parallel_loop3A_276, %parallel_loop3A_282 : i32
        %parallel_loop3A_284 = arith.xori %parallel_loop3A_281, %parallel_loop3A_283 : i1
        %parallel_loop3A_285 = arith.andi %parallel_loop3A_284, %parallel_loop3A_279 : i1
        %parallel_loop3A_286 = arith.addi %parallel_loop3A_277, %parallel_loop3A_276 : i32
        %parallel_loop3A_287 = arith.select %parallel_loop3A_285, %parallel_loop3A_286, %parallel_loop3A_277 : i32
        %parallel_loop3A_288 = arith.constant 16 : i32
        %parallel_loop3A_289 = arith.muli %parallel_loop3A_287, %parallel_loop3A_288 : i32
        %parallel_loop3A_290 = arith.constant 0 : i32
        %parallel_loop3A_291 = arith.index_cast %parallel_loop3A_290 : i32 to index
        %parallel_loop3A_292 = arith.index_cast %parallel_loop3A_271 : i32 to index
        %parallel_loop3A_293 = arith.index_cast %parallel_loop3A_289 : i32 to index
        %parallel_loop3A_294 = tpu.vector_load %arg6[%parallel_loop3A_291, %parallel_loop3A_292, %parallel_loop3A_293] {strides = array<i32>} : memref<2x8x384xi32, #tpu.memory_space<vmem>>, vector<16xi32>,
        %parallel_loop3A_295 = arith.constant 0 : i32
        %parallel_loop3A_296 = vector.broadcast %parallel_loop3A_295 : i32 to vector<16xi32>
        %parallel_loop3A_297 = arith.cmpi sge, %parallel_loop3A_294, %parallel_loop3A_296 : vector<16xi32>
        %parallel_loop3A_298 = arith.constant 511 : i32
        %parallel_loop3A_299 = vector.broadcast %parallel_loop3A_298 : i32 to vector<16xi32>
        %parallel_loop3A_300 = arith.andi %parallel_loop3A_294, %parallel_loop3A_299 : vector<16xi32>
        %parallel_loop3A_301 = arith.constant 0 : i32
        %parallel_loop3A_302 = arith.constant 0 : i32
        %parallel_loop3A_303 = arith.index_cast %parallel_loop3A_301 : i32 to index
        %parallel_loop3A_304 = arith.index_cast %parallel_loop3A_302 : i32 to index
        %parallel_loop3A_305 = arith.index_cast %parallel_loop3A_271 : i32 to index
        %parallel_loop3A_306 = arith.index_cast %parallel_loop3A_289 : i32 to index
        %parallel_loop3A_307 = tpu.vector_load %arg7[%parallel_loop3A_303, %parallel_loop3A_304, %parallel_loop3A_305, %parallel_loop3A_306] {strides = array<i32>} : memref<2x12x8x384xf32, #tpu.memory_space<vmem>>, vector<16xf32>,
        %parallel_loop3A_308 = arith.constant 0 : i32
        %parallel_loop3A_309 = tpu.memref_slice %arg8[%parallel_loop3A_308] : memref<4704xf32, #tpu.memory_space<vmem>> -> memref<384xf32, #tpu.memory_space<vmem>>
        tpu.vector_store_idx %parallel_loop3A_309[%parallel_loop3A_300], %parallel_loop3A_307 masked %parallel_loop3A_297 {add = true} : memref<384xf32, #tpu.memory_space<vmem>>[vector<16xi32>], vector<16xf32>, vector<16xi1>
        %parallel_loop3A_310 = arith.constant 0 : i32
        %parallel_loop3A_311 = arith.constant 1 : i32
        %parallel_loop3A_312 = arith.index_cast %parallel_loop3A_310 : i32 to index
        %parallel_loop3A_313 = arith.index_cast %parallel_loop3A_311 : i32 to index
        %parallel_loop3A_314 = arith.index_cast %parallel_loop3A_271 : i32 to index
        %parallel_loop3A_315 = arith.index_cast %parallel_loop3A_289 : i32 to index
        %parallel_loop3A_316 = tpu.vector_load %arg7[%parallel_loop3A_312, %parallel_loop3A_313, %parallel_loop3A_314, %parallel_loop3A_315] {strides = array<i32>} : memref<2x12x8x384xf32, #tpu.memory_space<vmem>>, vector<16xf32>,
        %parallel_loop3A_317 = arith.constant 392 : i32
        %parallel_loop3A_318 = tpu.memref_slice %arg8[%parallel_loop3A_317] : memref<4704xf32, #tpu.memory_space<vmem>> -> memref<384xf32, #tpu.memory_space<vmem>>
        tpu.vector_store_idx %parallel_loop3A_318[%parallel_loop3A_300], %parallel_loop3A_316 masked %parallel_loop3A_297 {add = true} : memref<384xf32, #tpu.memory_space<vmem>>[vector<16xi32>], vector<16xf32>, vector<16xi1>
        %parallel_loop3A_319 = arith.constant 0 : i32
        %parallel_loop3A_320 = arith.constant 2 : i32
        %parallel_loop3A_321 = arith.index_cast %parallel_loop3A_319 : i32 to index
        %parallel_loop3A_322 = arith.index_cast %parallel_loop3A_320 : i32 to index
        %parallel_loop3A_323 = arith.index_cast %parallel_loop3A_271 : i32 to index
        %parallel_loop3A_324 = arith.index_cast %parallel_loop3A_289 : i32 to index
        %parallel_loop3A_325 = tpu.vector_load %arg7[%parallel_loop3A_321, %parallel_loop3A_322, %parallel_loop3A_323, %parallel_loop3A_324] {strides = array<i32>} : memref<2x12x8x384xf32, #tpu.memory_space<vmem>>, vector<16xf32>,
        %parallel_loop3A_326 = arith.constant 784 : i32
        %parallel_loop3A_327 = tpu.memref_slice %arg8[%parallel_loop3A_326] : memref<4704xf32, #tpu.memory_space<vmem>> -> memref<384xf32, #tpu.memory_space<vmem>>
        tpu.vector_store_idx %parallel_loop3A_327[%parallel_loop3A_300], %parallel_loop3A_325 masked %parallel_loop3A_297 {add = true} : memref<384xf32, #tpu.memory_space<vmem>>[vector<16xi32>], vector<16xf32>, vector<16xi1>
        %parallel_loop3A_328 = arith.constant 0 : i32
        %parallel_loop3A_329 = arith.constant 3 : i32
        %parallel_loop3A_330 = arith.index_cast %parallel_loop3A_328 : i32 to index
        %parallel_loop3A_331 = arith.index_cast %parallel_loop3A_329 : i32 to index
        %parallel_loop3A_332 = arith.index_cast %parallel_loop3A_271 : i32 to index
        %parallel_loop3A_333 = arith.index_cast %parallel_loop3A_289 : i32 to index
        %parallel_loop3A_334 = tpu.vector_load %arg7[%parallel_loop3A_330, %parallel_loop3A_331, %parallel_loop3A_332, %parallel_loop3A_333] {strides = array<i32>} : memref<2x12x8x384xf32, #tpu.memory_space<vmem>>, vector<16xf32>,
        %parallel_loop3A_335 = arith.constant 1176 : i32
        %parallel_loop3A_336 = tpu.memref_slice %arg8[%parallel_loop3A_335] : memref<4704xf32, #tpu.memory_space<vmem>> -> memref<384xf32, #tpu.memory_space<vmem>>
        tpu.vector_store_idx %parallel_loop3A_336[%parallel_loop3A_300], %parallel_loop3A_334 masked %parallel_loop3A_297 {add = true} : memref<384xf32, #tpu.memory_space<vmem>>[vector<16xi32>], vector<16xf32>, vector<16xi1>
        %parallel_loop3A_337 = arith.constant 0 : i32
        %parallel_loop3A_338 = arith.constant 4 : i32
        %parallel_loop3A_339 = arith.index_cast %parallel_loop3A_337 : i32 to index
        %parallel_loop3A_340 = arith.index_cast %parallel_loop3A_338 : i32 to index
        %parallel_loop3A_341 = arith.index_cast %parallel_loop3A_271 : i32 to index
        %parallel_loop3A_342 = arith.index_cast %parallel_loop3A_289 : i32 to index
        %parallel_loop3A_343 = tpu.vector_load %arg7[%parallel_loop3A_339, %parallel_loop3A_340, %parallel_loop3A_341, %parallel_loop3A_342] {strides = array<i32>} : memref<2x12x8x384xf32, #tpu.memory_space<vmem>>, vector<16xf32>,
        %parallel_loop3A_344 = arith.constant 1568 : i32
        %parallel_loop3A_345 = tpu.memref_slice %arg8[%parallel_loop3A_344] : memref<4704xf32, #tpu.memory_space<vmem>> -> memref<384xf32, #tpu.memory_space<vmem>>
        tpu.vector_store_idx %parallel_loop3A_345[%parallel_loop3A_300], %parallel_loop3A_343 masked %parallel_loop3A_297 {add = true} : memref<384xf32, #tpu.memory_space<vmem>>[vector<16xi32>], vector<16xf32>, vector<16xi1>
        %parallel_loop3A_346 = arith.constant 0 : i32
        %parallel_loop3A_347 = arith.constant 5 : i32
        %parallel_loop3A_348 = arith.index_cast %parallel_loop3A_346 : i32 to index
        %parallel_loop3A_349 = arith.index_cast %parallel_loop3A_347 : i32 to index
        %parallel_loop3A_350 = arith.index_cast %parallel_loop3A_271 : i32 to index
        %parallel_loop3A_351 = arith.index_cast %parallel_loop3A_289 : i32 to index
        %parallel_loop3A_352 = tpu.vector_load %arg7[%parallel_loop3A_348, %parallel_loop3A_349, %parallel_loop3A_350, %parallel_loop3A_351] {strides = array<i32>} : memref<2x12x8x384xf32, #tpu.memory_space<vmem>>, vector<16xf32>,
        %parallel_loop3A_353 = arith.constant 1960 : i32
        %parallel_loop3A_354 = tpu.memref_slice %arg8[%parallel_loop3A_353] : memref<4704xf32, #tpu.memory_space<vmem>> -> memref<384xf32, #tpu.memory_space<vmem>>
        tpu.vector_store_idx %parallel_loop3A_354[%parallel_loop3A_300], %parallel_loop3A_352 masked %parallel_loop3A_297 {add = true} : memref<384xf32, #tpu.memory_space<vmem>>[vector<16xi32>], vector<16xf32>, vector<16xi1>
        %parallel_loop3A_355 = arith.constant 0 : i32
        %parallel_loop3A_356 = arith.constant 6 : i32
        %parallel_loop3A_357 = arith.index_cast %parallel_loop3A_355 : i32 to index
        %parallel_loop3A_358 = arith.index_cast %parallel_loop3A_356 : i32 to index
        %parallel_loop3A_359 = arith.index_cast %parallel_loop3A_271 : i32 to index
        %parallel_loop3A_360 = arith.index_cast %parallel_loop3A_289 : i32 to index
        %parallel_loop3A_361 = tpu.vector_load %arg7[%parallel_loop3A_357, %parallel_loop3A_358, %parallel_loop3A_359, %parallel_loop3A_360] {strides = array<i32>} : memref<2x12x8x384xf32, #tpu.memory_space<vmem>>, vector<16xf32>,
        %parallel_loop3A_362 = arith.constant 2352 : i32
        %parallel_loop3A_363 = tpu.memref_slice %arg8[%parallel_loop3A_362] : memref<4704xf32, #tpu.memory_space<vmem>> -> memref<384xf32, #tpu.memory_space<vmem>>
        tpu.vector_store_idx %parallel_loop3A_363[%parallel_loop3A_300], %parallel_loop3A_361 masked %parallel_loop3A_297 {add = true} : memref<384xf32, #tpu.memory_space<vmem>>[vector<16xi32>], vector<16xf32>, vector<16xi1>
        %parallel_loop3A_364 = arith.constant 0 : i32
        %parallel_loop3A_365 = arith.constant 7 : i32
        %parallel_loop3A_366 = arith.index_cast %parallel_loop3A_364 : i32 to index
        %parallel_loop3A_367 = arith.index_cast %parallel_loop3A_365 : i32 to index
        %parallel_loop3A_368 = arith.index_cast %parallel_loop3A_271 : i32 to index
        %parallel_loop3A_369 = arith.index_cast %parallel_loop3A_289 : i32 to index
        %parallel_loop3A_370 = tpu.vector_load %arg7[%parallel_loop3A_366, %parallel_loop3A_367, %parallel_loop3A_368, %parallel_loop3A_369] {strides = array<i32>} : memref<2x12x8x384xf32, #tpu.memory_space<vmem>>, vector<16xf32>,
        %parallel_loop3A_371 = arith.constant 2744 : i32
        %parallel_loop3A_372 = tpu.memref_slice %arg8[%parallel_loop3A_371] : memref<4704xf32, #tpu.memory_space<vmem>> -> memref<384xf32, #tpu.memory_space<vmem>>
        tpu.vector_store_idx %parallel_loop3A_372[%parallel_loop3A_300], %parallel_loop3A_370 masked %parallel_loop3A_297 {add = true} : memref<384xf32, #tpu.memory_space<vmem>>[vector<16xi32>], vector<16xf32>, vector<16xi1>
        %parallel_loop3A_373 = arith.constant 0 : i32
        %parallel_loop3A_374 = arith.constant 8 : i32
        %parallel_loop3A_375 = arith.index_cast %parallel_loop3A_373 : i32 to index
        %parallel_loop3A_376 = arith.index_cast %parallel_loop3A_374 : i32 to index
        %parallel_loop3A_377 = arith.index_cast %parallel_loop3A_271 : i32 to index
        %parallel_loop3A_378 = arith.index_cast %parallel_loop3A_289 : i32 to index
        %parallel_loop3A_379 = tpu.vector_load %arg7[%parallel_loop3A_375, %parallel_loop3A_376, %parallel_loop3A_377, %parallel_loop3A_378] {strides = array<i32>} : memref<2x12x8x384xf32, #tpu.memory_space<vmem>>, vector<16xf32>,
        %parallel_loop3A_380 = arith.constant 3136 : i32
        %parallel_loop3A_381 = tpu.memref_slice %arg8[%parallel_loop3A_380] : memref<4704xf32, #tpu.memory_space<vmem>> -> memref<384xf32, #tpu.memory_space<vmem>>
        tpu.vector_store_idx %parallel_loop3A_381[%parallel_loop3A_300], %parallel_loop3A_379 masked %parallel_loop3A_297 {add = true} : memref<384xf32, #tpu.memory_space<vmem>>[vector<16xi32>], vector<16xf32>, vector<16xi1>
        %parallel_loop3A_382 = arith.constant 0 : i32
        %parallel_loop3A_383 = arith.constant 9 : i32
        %parallel_loop3A_384 = arith.index_cast %parallel_loop3A_382 : i32 to index
        %parallel_loop3A_385 = arith.index_cast %parallel_loop3A_383 : i32 to index
        %parallel_loop3A_386 = arith.index_cast %parallel_loop3A_271 : i32 to index
        %parallel_loop3A_387 = arith.index_cast %parallel_loop3A_289 : i32 to index
        %parallel_loop3A_388 = tpu.vector_load %arg7[%parallel_loop3A_384, %parallel_loop3A_385, %parallel_loop3A_386, %parallel_loop3A_387] {strides = array<i32>} : memref<2x12x8x384xf32, #tpu.memory_space<vmem>>, vector<16xf32>,
        %parallel_loop3A_389 = arith.constant 3528 : i32
        %parallel_loop3A_390 = tpu.memref_slice %arg8[%parallel_loop3A_389] : memref<4704xf32, #tpu.memory_space<vmem>> -> memref<384xf32, #tpu.memory_space<vmem>>
        tpu.vector_store_idx %parallel_loop3A_390[%parallel_loop3A_300], %parallel_loop3A_388 masked %parallel_loop3A_297 {add = true} : memref<384xf32, #tpu.memory_space<vmem>>[vector<16xi32>], vector<16xf32>, vector<16xi1>
        %parallel_loop3A_391 = arith.constant 0 : i32
        %parallel_loop3A_392 = arith.constant 10 : i32
        %parallel_loop3A_393 = arith.index_cast %parallel_loop3A_391 : i32 to index
        %parallel_loop3A_394 = arith.index_cast %parallel_loop3A_392 : i32 to index
        %parallel_loop3A_395 = arith.index_cast %parallel_loop3A_271 : i32 to index
        %parallel_loop3A_396 = arith.index_cast %parallel_loop3A_289 : i32 to index
        %parallel_loop3A_397 = tpu.vector_load %arg7[%parallel_loop3A_393, %parallel_loop3A_394, %parallel_loop3A_395, %parallel_loop3A_396] {strides = array<i32>} : memref<2x12x8x384xf32, #tpu.memory_space<vmem>>, vector<16xf32>,
        %parallel_loop3A_398 = arith.constant 3920 : i32
        %parallel_loop3A_399 = tpu.memref_slice %arg8[%parallel_loop3A_398] : memref<4704xf32, #tpu.memory_space<vmem>> -> memref<384xf32, #tpu.memory_space<vmem>>
        tpu.vector_store_idx %parallel_loop3A_399[%parallel_loop3A_300], %parallel_loop3A_397 masked %parallel_loop3A_297 {add = true} : memref<384xf32, #tpu.memory_space<vmem>>[vector<16xi32>], vector<16xf32>, vector<16xi1>
        %parallel_loop3A_400 = arith.constant 0 : i32
        %parallel_loop3A_401 = arith.constant 11 : i32
        %parallel_loop3A_402 = arith.index_cast %parallel_loop3A_400 : i32 to index
        %parallel_loop3A_403 = arith.index_cast %parallel_loop3A_401 : i32 to index
        %parallel_loop3A_404 = arith.index_cast %parallel_loop3A_271 : i32 to index
        %parallel_loop3A_405 = arith.index_cast %parallel_loop3A_289 : i32 to index
        %parallel_loop3A_406 = tpu.vector_load %arg7[%parallel_loop3A_402, %parallel_loop3A_403, %parallel_loop3A_404, %parallel_loop3A_405] {strides = array<i32>} : memref<2x12x8x384xf32, #tpu.memory_space<vmem>>, vector<16xf32>,
        %parallel_loop3A_407 = arith.constant 4312 : i32
        %parallel_loop3A_408 = tpu.memref_slice %arg8[%parallel_loop3A_407] : memref<4704xf32, #tpu.memory_space<vmem>> -> memref<384xf32, #tpu.memory_space<vmem>>
        tpu.vector_store_idx %parallel_loop3A_408[%parallel_loop3A_300], %parallel_loop3A_406 masked %parallel_loop3A_297 {add = true} : memref<384xf32, #tpu.memory_space<vmem>>[vector<16xi32>], vector<16xf32>, vector<16xi1>
      } {sc.loop_unroll_factor = 8 : i64, sc.parallel_access}
      %add3A_187 = arith.constant 2 : i32
      %add3A_188 = arith.addi %add3A_144, %add3A_187 : i32
      %lt3A_189 = arith.constant 48 : i32
      %lt3A_190 = arith.cmpi slt, %add3A_188, %lt3A_189 : i32
      %convert_element_type3A = arith.extui %lt3A_190 : i1 to i32
      %cond3A = arith.constant 0 : i32
      %cond3A_191 = arith.cmpi ne, %convert_element_type3A, %cond3A : i32
      scf.if %cond3A_191 {
        %add3A_247 = arith.constant 2 : i32
        %add3A_248 = arith.addi %add3A_144, %add3A_247 : i32
        %mul3A_249 = arith.constant 6 : i32
        %mul3A_250 = arith.muli %select_n3A_30, %mul3A_249 : i32
        %add3A_251 = arith.addi %add3A_248, %mul3A_250 : i32
        %rem3A_252 = arith.constant 48 : i32
        %rem3A_253 = arith.remsi %add3A_251, %rem3A_252 : i32
        %mul3A_254 = arith.constant 8 : i32
        %mul3A_255 = arith.muli %rem3A_253, %mul3A_254 : i32
        %mul3A_256 = arith.constant 12 : i32
        %mul3A_257 = arith.muli %select_n3A_30, %mul3A_256 : i32
        %dma_start3A_258 = arith.constant 0 : i32
        %dma_start3A_259 = arith.constant 0 : i32
        %dma_start3A_260 = arith.constant 0 : i32
        %dma_start3A_261 = tpu.memref_slice %arg6[%dma_start3A_258, %dma_start3A_259, %dma_start3A_260] : memref<2x8x384xi32, #tpu.memory_space<vmem>> -> memref<1x8x384xi32, #tpu.memory_space<vmem>>
        %dma_start3A_262 = tpu.memref_squeeze %dma_start3A_261 : memref<1x8x384xi32, #tpu.memory_space<vmem>> -> memref<8x384xi32, #tpu.memory_space<vmem>>
        %dma_start3A_263 = arith.constant 0 : i32
        %dma_start3A_264 = tpu.memref_slice %arg3[%select_n3A, %mul3A_255, %dma_start3A_263] : memref<4x384x384xi32, #tpu.memory_space<hbm>> -> memref<1x8x384xi32, #tpu.memory_space<hbm>>
        %dma_start3A_265 = tpu.memref_squeeze %dma_start3A_264 : memref<1x8x384xi32, #tpu.memory_space<hbm>> -> memref<8x384xi32, #tpu.memory_space<hbm>>
        %dma_start3A_266 = arith.constant 0 : i32
        %dma_start3A_267 = arith.constant 0 : i32
        %dma_start3A_268 = tpu.memref_slice %arg6[%dma_start3A_258, %dma_start3A_266, %dma_start3A_267] : memref<2x8x384xi32, #tpu.memory_space<vmem>> -> memref<1x8x384xi32, #tpu.memory_space<vmem>>
        %dma_start3A_269 = tpu.memref_squeeze %dma_start3A_268 : memref<1x8x384xi32, #tpu.memory_space<vmem>> -> memref<8x384xi32, #tpu.memory_space<vmem>>
        %dma_start3A_270 = arith.constant 0 : i32
        %dma_start3A_271 = tpu.memref_slice %arg3[%select_n3A, %mul3A_255, %dma_start3A_270] : memref<4x384x384xi32, #tpu.memory_space<hbm>> -> memref<1x8x384xi32, #tpu.memory_space<hbm>>
        %dma_start3A_272 = tpu.memref_squeeze %dma_start3A_271 : memref<1x8x384xi32, #tpu.memory_space<hbm>> -> memref<8x384xi32, #tpu.memory_space<hbm>>
        tpu.enqueue_dma source(%dma_start3A_272 : memref<8x384xi32, #tpu.memory_space<hbm>>) target(%dma_start3A_269 : memref<8x384xi32, #tpu.memory_space<vmem>>) target_semaphore(%arg10 : memref<!tpu.dma_semaphore, #tpu.memory_space<semaphore_mem>>)
        %dma_start3A_273 = arith.constant 0 : i32
        %dma_start3A_274 = arith.constant 0 : i32
        %dma_start3A_275 = arith.constant 0 : i32
        %dma_start3A_276 = arith.constant 0 : i32
        %dma_start3A_277 = tpu.memref_slice %arg7[%dma_start3A_273, %dma_start3A_274, %dma_start3A_275, %dma_start3A_276] : memref<2x12x8x384xf32, #tpu.memory_space<vmem>> -> memref<1x12x8x384xf32, #tpu.memory_space<vmem>>
        %dma_start3A_278 = tpu.memref_squeeze %dma_start3A_277 : memref<1x12x8x384xf32, #tpu.memory_space<vmem>> -> memref<12x8x384xf32, #tpu.memory_space<vmem>>
        %dma_start3A_279 = arith.constant 0 : i32
        %dma_start3A_280 = tpu.memref_slice %arg2[%select_n3A, %mul3A_257, %mul3A_255, %dma_start3A_279] : memref<4x96x384x384xf32, #tpu.memory_space<hbm>> -> memref<1x12x8x384xf32, #tpu.memory_space<hbm>>
        %dma_start3A_281 = tpu.memref_squeeze %dma_start3A_280 : memref<1x12x8x384xf32, #tpu.memory_space<hbm>> -> memref<12x8x384xf32, #tpu.memory_space<hbm>>
        %dma_start3A_282 = arith.constant 0 : i32
        %dma_start3A_283 = arith.constant 0 : i32
        %dma_start3A_284 = arith.constant 0 : i32
        %dma_start3A_285 = tpu.memref_slice %arg7[%dma_start3A_273, %dma_start3A_282, %dma_start3A_283, %dma_start3A_284] : memref<2x12x8x384xf32, #tpu.memory_space<vmem>> -> memref<1x12x8x384xf32, #tpu.memory_space<vmem>>
        %dma_start3A_286 = tpu.memref_squeeze %dma_start3A_285 : memref<1x12x8x384xf32, #tpu.memory_space<vmem>> -> memref<12x8x384xf32, #tpu.memory_space<vmem>>
        %dma_start3A_287 = arith.constant 0 : i32
        %dma_start3A_288 = tpu.memref_slice %arg2[%select_n3A, %mul3A_257, %mul3A_255, %dma_start3A_287] : memref<4x96x384x384xf32, #tpu.memory_space<hbm>> -> memref<1x12x8x384xf32, #tpu.memory_space<hbm>>
        %dma_start3A_289 = tpu.memref_squeeze %dma_start3A_288 : memref<1x12x8x384xf32, #tpu.memory_space<hbm>> -> memref<12x8x384xf32, #tpu.memory_space<hbm>>
        tpu.enqueue_dma source(%dma_start3A_289 : memref<12x8x384xf32, #tpu.memory_space<hbm>>) target(%dma_start3A_286 : memref<12x8x384xf32, #tpu.memory_space<vmem>>) target_semaphore(%arg10 : memref<!tpu.dma_semaphore, #tpu.memory_space<semaphore_mem>>)
      } else {
      }
      %mul3A_192 = arith.constant 2 : i32
      %mul3A_193 = arith.muli %scan3A_140, %mul3A_192 : i32
      %add3A_194 = arith.constant 1 : i32
      %add3A_195 = arith.addi %mul3A_193, %add3A_194 : i32
      %mul3A_196 = arith.constant 6 : i32
      %mul3A_197 = arith.muli %select_n3A_30, %mul3A_196 : i32
      %add3A_198 = arith.addi %add3A_195, %mul3A_197 : i32
      %rem3A_199 = arith.constant 48 : i32
      %rem3A_200 = arith.remsi %add3A_198, %rem3A_199 : i32
      %mul3A_201 = arith.constant 8 : i32
      %mul3A_202 = arith.muli %rem3A_200, %mul3A_201 : i32
      %mul3A_203 = arith.constant 12 : i32
      %mul3A_204 = arith.muli %select_n3A_30, %mul3A_203 : i32
      %dma_wait3A_205 = arith.constant 1 : i32
      %dma_wait3A_206 = arith.constant 0 : i32
      %dma_wait3A_207 = arith.constant 0 : i32
      %dma_wait3A_208 = tpu.memref_slice %arg6[%dma_wait3A_205, %dma_wait3A_206, %dma_wait3A_207] : memref<2x8x384xi32, #tpu.memory_space<vmem>> -> memref<1x8x384xi32, #tpu.memory_space<vmem>>
      %dma_wait3A_209 = tpu.memref_squeeze %dma_wait3A_208 : memref<1x8x384xi32, #tpu.memory_space<vmem>> -> memref<8x384xi32, #tpu.memory_space<vmem>>
      %dma_wait3A_210 = arith.constant 0 : i32
      %dma_wait3A_211 = tpu.memref_slice %arg3[%select_n3A, %mul3A_202, %dma_wait3A_210] : memref<4x384x384xi32, #tpu.memory_space<hbm>> -> memref<1x8x384xi32, #tpu.memory_space<hbm>>
      %dma_wait3A_212 = tpu.memref_squeeze %dma_wait3A_211 : memref<1x8x384xi32, #tpu.memory_space<hbm>> -> memref<8x384xi32, #tpu.memory_space<hbm>>
      %dma_wait3A_213 = arith.constant 0 : i32
      %dma_wait3A_214 = arith.constant 0 : i32
      %dma_wait3A_215 = tpu.memref_slice %arg6[%dma_wait3A_205, %dma_wait3A_213, %dma_wait3A_214] : memref<2x8x384xi32, #tpu.memory_space<vmem>> -> memref<1x8x384xi32, #tpu.memory_space<vmem>>
      %dma_wait3A_216 = tpu.memref_squeeze %dma_wait3A_215 : memref<1x8x384xi32, #tpu.memory_space<vmem>> -> memref<8x384xi32, #tpu.memory_space<vmem>>
      %dma_wait3A_217 = arith.constant 0 : i32
      %dma_wait3A_218 = tpu.memref_slice %arg3[%select_n3A, %mul3A_202, %dma_wait3A_217] : memref<4x384x384xi32, #tpu.memory_space<hbm>> -> memref<1x8x384xi32, #tpu.memory_space<hbm>>
      %dma_wait3A_219 = tpu.memref_squeeze %dma_wait3A_218 : memref<1x8x384xi32, #tpu.memory_space<hbm>> -> memref<8x384xi32, #tpu.memory_space<hbm>>
      tpu.wait_dma2 semaphore(%arg11 : memref<!tpu.dma_semaphore, #tpu.memory_space<semaphore_mem>>) src(%dma_wait3A_219 : memref<8x384xi32, #tpu.memory_space<hbm>>) dst(%dma_wait3A_216 : memref<8x384xi32, #tpu.memory_space<vmem>>)
      %dma_wait3A_220 = arith.constant 1 : i32
      %dma_wait3A_221 = arith.constant 0 : i32
      %dma_wait3A_222 = arith.constant 0 : i32
      %dma_wait3A_223 = arith.constant 0 : i32
      %dma_wait3A_224 = tpu.memref_slice %arg7[%dma_wait3A_220, %dma_wait3A_221, %dma_wait3A_222, %dma_wait3A_223] : memref<2x12x8x384xf32, #tpu.memory_space<vmem>> -> memref<1x12x8x384xf32, #tpu.memory_space<vmem>>
      %dma_wait3A_225 = tpu.memref_squeeze %dma_wait3A_224 : memref<1x12x8x384xf32, #tpu.memory_space<vmem>> -> memref<12x8x384xf32, #tpu.memory_space<vmem>>
      %dma_wait3A_226 = arith.constant 0 : i32
      %dma_wait3A_227 = tpu.memref_slice %arg2[%select_n3A, %mul3A_204, %mul3A_202, %dma_wait3A_226] : memref<4x96x384x384xf32, #tpu.memory_space<hbm>> -> memref<1x12x8x384xf32, #tpu.memory_space<hbm>>
      %dma_wait3A_228 = tpu.memref_squeeze %dma_wait3A_227 : memref<1x12x8x384xf32, #tpu.memory_space<hbm>> -> memref<12x8x384xf32, #tpu.memory_space<hbm>>
      %dma_wait3A_229 = arith.constant 0 : i32
      %dma_wait3A_230 = arith.constant 0 : i32
      %dma_wait3A_231 = arith.constant 0 : i32
      %dma_wait3A_232 = tpu.memref_slice %arg7[%dma_wait3A_220, %dma_wait3A_229, %dma_wait3A_230, %dma_wait3A_231] : memref<2x12x8x384xf32, #tpu.memory_space<vmem>> -> memref<1x12x8x384xf32, #tpu.memory_space<vmem>>
      %dma_wait3A_233 = tpu.memref_squeeze %dma_wait3A_232 : memref<1x12x8x384xf32, #tpu.memory_space<vmem>> -> memref<12x8x384xf32, #tpu.memory_space<vmem>>
      %dma_wait3A_234 = arith.constant 0 : i32
      %dma_wait3A_235 = tpu.memref_slice %arg2[%select_n3A, %mul3A_204, %mul3A_202, %dma_wait3A_234] : memref<4x96x384x384xf32, #tpu.memory_space<hbm>> -> memref<1x12x8x384xf32, #tpu.memory_space<hbm>>
      %dma_wait3A_236 = tpu.memref_squeeze %dma_wait3A_235 : memref<1x12x8x384xf32, #tpu.memory_space<hbm>> -> memref<12x8x384xf32, #tpu.memory_space<hbm>>
      tpu.wait_dma2 semaphore(%arg11 : memref<!tpu.dma_semaphore, #tpu.memory_space<semaphore_mem>>) src(%dma_wait3A_236 : memref<12x8x384xf32, #tpu.memory_space<hbm>>) dst(%dma_wait3A_233 : memref<12x8x384xf32, #tpu.memory_space<vmem>>)
      %parallel_loop3A_237 = arith.constant 0 : i32
      %parallel_loop3A_238 = arith.constant 192 : i32
      %parallel_loop3A_239 = arith.constant 1 : i32
      scf.for %parallel_loop3A_247 = %parallel_loop3A_237 to %parallel_loop3A_238 step %parallel_loop3A_239  : i32 {
        %parallel_loop3A_248 = arith.constant 24 : i32
        %parallel_loop3A_249 = arith.divsi %parallel_loop3A_247, %parallel_loop3A_248 : i32
        %parallel_loop3A_250 = arith.constant 0 : i32
        %parallel_loop3A_251 = arith.cmpi sgt, %parallel_loop3A_247, %parallel_loop3A_250 : i32
        %parallel_loop3A_252 = arith.extui %parallel_loop3A_251 : i1 to i32
        %parallel_loop3A_253 = arith.constant 0 : i32
        %parallel_loop3A_254 = arith.cmpi slt, %parallel_loop3A_247, %parallel_loop3A_253 : i32
        %parallel_loop3A_255 = arith.extui %parallel_loop3A_254 : i1 to i32
        %parallel_loop3A_256 = arith.subi %parallel_loop3A_252, %parallel_loop3A_255 : i32
        %parallel_loop3A_257 = arith.constant 0 : i32
        %parallel_loop3A_258 = arith.cmpi sgt, %parallel_loop3A_248, %parallel_loop3A_257 : i32
        %parallel_loop3A_259 = arith.extui %parallel_loop3A_258 : i1 to i32
        %parallel_loop3A_260 = arith.constant 0 : i32
        %parallel_loop3A_261 = arith.cmpi slt, %parallel_loop3A_248, %parallel_loop3A_260 : i32
        %parallel_loop3A_262 = arith.extui %parallel_loop3A_261 : i1 to i32
        %parallel_loop3A_263 = arith.subi %parallel_loop3A_259, %parallel_loop3A_262 : i32
        %parallel_loop3A_264 = arith.cmpi ne, %parallel_loop3A_256, %parallel_loop3A_263 : i32
        %parallel_loop3A_265 = arith.remsi %parallel_loop3A_247, %parallel_loop3A_248 : i32
        %parallel_loop3A_266 = arith.constant 0 : i32
        %parallel_loop3A_267 = arith.cmpi ne, %parallel_loop3A_265, %parallel_loop3A_266 : i32
        %parallel_loop3A_268 = arith.andi %parallel_loop3A_264, %parallel_loop3A_267 : i1
        %parallel_loop3A_269 = arith.constant 1 : i32
        %parallel_loop3A_270 = arith.subi %parallel_loop3A_249, %parallel_loop3A_269 : i32
        %parallel_loop3A_271 = arith.select %parallel_loop3A_268, %parallel_loop3A_270, %parallel_loop3A_249 : i32
        %parallel_loop3A_272 = arith.constant 24 : i32
        %parallel_loop3A_273 = arith.constant 0 : i32
        %parallel_loop3A_274 = arith.cmpi eq, %parallel_loop3A_272, %parallel_loop3A_273 : i32
        %parallel_loop3A_275 = arith.constant 1 : i32
        %parallel_loop3A_276 = arith.select %parallel_loop3A_274, %parallel_loop3A_275, %parallel_loop3A_272 : i32
        %parallel_loop3A_277 = arith.remsi %parallel_loop3A_247, %parallel_loop3A_276 : i32
        %parallel_loop3A_278 = arith.constant 0 : i32
        %parallel_loop3A_279 = arith.cmpi ne, %parallel_loop3A_277, %parallel_loop3A_278 : i32
        %parallel_loop3A_280 = arith.constant 0 : i32
        %parallel_loop3A_281 = arith.cmpi slt, %parallel_loop3A_277, %parallel_loop3A_280 : i32
        %parallel_loop3A_282 = arith.constant 0 : i32
        %parallel_loop3A_283 = arith.cmpi slt, %parallel_loop3A_276, %parallel_loop3A_282 : i32
        %parallel_loop3A_284 = arith.xori %parallel_loop3A_281, %parallel_loop3A_283 : i1
        %parallel_loop3A_285 = arith.andi %parallel_loop3A_284, %parallel_loop3A_279 : i1
        %parallel_loop3A_286 = arith.addi %parallel_loop3A_277, %parallel_loop3A_276 : i32
        %parallel_loop3A_287 = arith.select %parallel_loop3A_285, %parallel_loop3A_286, %parallel_loop3A_277 : i32
        %parallel_loop3A_288 = arith.constant 16 : i32
        %parallel_loop3A_289 = arith.muli %parallel_loop3A_287, %parallel_loop3A_288 : i32
        %parallel_loop3A_290 = arith.constant 1 : i32
        %parallel_loop3A_291 = arith.index_cast %parallel_loop3A_290 : i32 to index
        %parallel_loop3A_292 = arith.index_cast %parallel_loop3A_271 : i32 to index
        %parallel_loop3A_293 = arith.index_cast %parallel_loop3A_289 : i32 to index
        %parallel_loop3A_294 = tpu.vector_load %arg6[%parallel_loop3A_291, %parallel_loop3A_292, %parallel_loop3A_293] {strides = array<i32>} : memref<2x8x384xi32, #tpu.memory_space<vmem>>, vector<16xi32>,
        %parallel_loop3A_295 = arith.constant 0 : i32
        %parallel_loop3A_296 = vector.broadcast %parallel_loop3A_295 : i32 to vector<16xi32>
        %parallel_loop3A_297 = arith.cmpi sge, %parallel_loop3A_294, %parallel_loop3A_296 : vector<16xi32>
        %parallel_loop3A_298 = arith.constant 511 : i32
        %parallel_loop3A_299 = vector.broadcast %parallel_loop3A_298 : i32 to vector<16xi32>
        %parallel_loop3A_300 = arith.andi %parallel_loop3A_294, %parallel_loop3A_299 : vector<16xi32>
        %parallel_loop3A_301 = arith.constant 1 : i32
        %parallel_loop3A_302 = arith.constant 0 : i32
        %parallel_loop3A_303 = arith.index_cast %parallel_loop3A_301 : i32 to index
        %parallel_loop3A_304 = arith.index_cast %parallel_loop3A_302 : i32 to index
        %parallel_loop3A_305 = arith.index_cast %parallel_loop3A_271 : i32 to index
        %parallel_loop3A_306 = arith.index_cast %parallel_loop3A_289 : i32 to index
        %parallel_loop3A_307 = tpu.vector_load %arg7[%parallel_loop3A_303, %parallel_loop3A_304, %parallel_loop3A_305, %parallel_loop3A_306] {strides = array<i32>} : memref<2x12x8x384xf32, #tpu.memory_space<vmem>>, vector<16xf32>,
        %parallel_loop3A_308 = arith.constant 0 : i32
        %parallel_loop3A_309 = tpu.memref_slice %arg8[%parallel_loop3A_308] : memref<4704xf32, #tpu.memory_space<vmem>> -> memref<384xf32, #tpu.memory_space<vmem>>
        tpu.vector_store_idx %parallel_loop3A_309[%parallel_loop3A_300], %parallel_loop3A_307 masked %parallel_loop3A_297 {add = true} : memref<384xf32, #tpu.memory_space<vmem>>[vector<16xi32>], vector<16xf32>, vector<16xi1>
        %parallel_loop3A_310 = arith.constant 1 : i32
        %parallel_loop3A_311 = arith.constant 1 : i32
        %parallel_loop3A_312 = arith.index_cast %parallel_loop3A_310 : i32 to index
        %parallel_loop3A_313 = arith.index_cast %parallel_loop3A_311 : i32 to index
        %parallel_loop3A_314 = arith.index_cast %parallel_loop3A_271 : i32 to index
        %parallel_loop3A_315 = arith.index_cast %parallel_loop3A_289 : i32 to index
        %parallel_loop3A_316 = tpu.vector_load %arg7[%parallel_loop3A_312, %parallel_loop3A_313, %parallel_loop3A_314, %parallel_loop3A_315] {strides = array<i32>} : memref<2x12x8x384xf32, #tpu.memory_space<vmem>>, vector<16xf32>,
        %parallel_loop3A_317 = arith.constant 392 : i32
        %parallel_loop3A_318 = tpu.memref_slice %arg8[%parallel_loop3A_317] : memref<4704xf32, #tpu.memory_space<vmem>> -> memref<384xf32, #tpu.memory_space<vmem>>
        tpu.vector_store_idx %parallel_loop3A_318[%parallel_loop3A_300], %parallel_loop3A_316 masked %parallel_loop3A_297 {add = true} : memref<384xf32, #tpu.memory_space<vmem>>[vector<16xi32>], vector<16xf32>, vector<16xi1>
        %parallel_loop3A_319 = arith.constant 1 : i32
        %parallel_loop3A_320 = arith.constant 2 : i32
        %parallel_loop3A_321 = arith.index_cast %parallel_loop3A_319 : i32 to index
        %parallel_loop3A_322 = arith.index_cast %parallel_loop3A_320 : i32 to index
        %parallel_loop3A_323 = arith.index_cast %parallel_loop3A_271 : i32 to index
        %parallel_loop3A_324 = arith.index_cast %parallel_loop3A_289 : i32 to index
        %parallel_loop3A_325 = tpu.vector_load %arg7[%parallel_loop3A_321, %parallel_loop3A_322, %parallel_loop3A_323, %parallel_loop3A_324] {strides = array<i32>} : memref<2x12x8x384xf32, #tpu.memory_space<vmem>>, vector<16xf32>,
        %parallel_loop3A_326 = arith.constant 784 : i32
        %parallel_loop3A_327 = tpu.memref_slice %arg8[%parallel_loop3A_326] : memref<4704xf32, #tpu.memory_space<vmem>> -> memref<384xf32, #tpu.memory_space<vmem>>
        tpu.vector_store_idx %parallel_loop3A_327[%parallel_loop3A_300], %parallel_loop3A_325 masked %parallel_loop3A_297 {add = true} : memref<384xf32, #tpu.memory_space<vmem>>[vector<16xi32>], vector<16xf32>, vector<16xi1>
        %parallel_loop3A_328 = arith.constant 1 : i32
        %parallel_loop3A_329 = arith.constant 3 : i32
        %parallel_loop3A_330 = arith.index_cast %parallel_loop3A_328 : i32 to index
        %parallel_loop3A_331 = arith.index_cast %parallel_loop3A_329 : i32 to index
        %parallel_loop3A_332 = arith.index_cast %parallel_loop3A_271 : i32 to index
        %parallel_loop3A_333 = arith.index_cast %parallel_loop3A_289 : i32 to index
        %parallel_loop3A_334 = tpu.vector_load %arg7[%parallel_loop3A_330, %parallel_loop3A_331, %parallel_loop3A_332, %parallel_loop3A_333] {strides = array<i32>} : memref<2x12x8x384xf32, #tpu.memory_space<vmem>>, vector<16xf32>,
        %parallel_loop3A_335 = arith.constant 1176 : i32
        %parallel_loop3A_336 = tpu.memref_slice %arg8[%parallel_loop3A_335] : memref<4704xf32, #tpu.memory_space<vmem>> -> memref<384xf32, #tpu.memory_space<vmem>>
        tpu.vector_store_idx %parallel_loop3A_336[%parallel_loop3A_300], %parallel_loop3A_334 masked %parallel_loop3A_297 {add = true} : memref<384xf32, #tpu.memory_space<vmem>>[vector<16xi32>], vector<16xf32>, vector<16xi1>
        %parallel_loop3A_337 = arith.constant 1 : i32
        %parallel_loop3A_338 = arith.constant 4 : i32
        %parallel_loop3A_339 = arith.index_cast %parallel_loop3A_337 : i32 to index
        %parallel_loop3A_340 = arith.index_cast %parallel_loop3A_338 : i32 to index
        %parallel_loop3A_341 = arith.index_cast %parallel_loop3A_271 : i32 to index
        %parallel_loop3A_342 = arith.index_cast %parallel_loop3A_289 : i32 to index
        %parallel_loop3A_343 = tpu.vector_load %arg7[%parallel_loop3A_339, %parallel_loop3A_340, %parallel_loop3A_341, %parallel_loop3A_342] {strides = array<i32>} : memref<2x12x8x384xf32, #tpu.memory_space<vmem>>, vector<16xf32>,
        %parallel_loop3A_344 = arith.constant 1568 : i32
        %parallel_loop3A_345 = tpu.memref_slice %arg8[%parallel_loop3A_344] : memref<4704xf32, #tpu.memory_space<vmem>> -> memref<384xf32, #tpu.memory_space<vmem>>
        tpu.vector_store_idx %parallel_loop3A_345[%parallel_loop3A_300], %parallel_loop3A_343 masked %parallel_loop3A_297 {add = true} : memref<384xf32, #tpu.memory_space<vmem>>[vector<16xi32>], vector<16xf32>, vector<16xi1>
        %parallel_loop3A_346 = arith.constant 1 : i32
        %parallel_loop3A_347 = arith.constant 5 : i32
        %parallel_loop3A_348 = arith.index_cast %parallel_loop3A_346 : i32 to index
        %parallel_loop3A_349 = arith.index_cast %parallel_loop3A_347 : i32 to index
        %parallel_loop3A_350 = arith.index_cast %parallel_loop3A_271 : i32 to index
        %parallel_loop3A_351 = arith.index_cast %parallel_loop3A_289 : i32 to index
        %parallel_loop3A_352 = tpu.vector_load %arg7[%parallel_loop3A_348, %parallel_loop3A_349, %parallel_loop3A_350, %parallel_loop3A_351] {strides = array<i32>} : memref<2x12x8x384xf32, #tpu.memory_space<vmem>>, vector<16xf32>,
        %parallel_loop3A_353 = arith.constant 1960 : i32
        %parallel_loop3A_354 = tpu.memref_slice %arg8[%parallel_loop3A_353] : memref<4704xf32, #tpu.memory_space<vmem>> -> memref<384xf32, #tpu.memory_space<vmem>>
        tpu.vector_store_idx %parallel_loop3A_354[%parallel_loop3A_300], %parallel_loop3A_352 masked %parallel_loop3A_297 {add = true} : memref<384xf32, #tpu.memory_space<vmem>>[vector<16xi32>], vector<16xf32>, vector<16xi1>
        %parallel_loop3A_355 = arith.constant 1 : i32
        %parallel_loop3A_356 = arith.constant 6 : i32
        %parallel_loop3A_357 = arith.index_cast %parallel_loop3A_355 : i32 to index
        %parallel_loop3A_358 = arith.index_cast %parallel_loop3A_356 : i32 to index
        %parallel_loop3A_359 = arith.index_cast %parallel_loop3A_271 : i32 to index
        %parallel_loop3A_360 = arith.index_cast %parallel_loop3A_289 : i32 to index
        %parallel_loop3A_361 = tpu.vector_load %arg7[%parallel_loop3A_357, %parallel_loop3A_358, %parallel_loop3A_359, %parallel_loop3A_360] {strides = array<i32>} : memref<2x12x8x384xf32, #tpu.memory_space<vmem>>, vector<16xf32>,
        %parallel_loop3A_362 = arith.constant 2352 : i32
        %parallel_loop3A_363 = tpu.memref_slice %arg8[%parallel_loop3A_362] : memref<4704xf32, #tpu.memory_space<vmem>> -> memref<384xf32, #tpu.memory_space<vmem>>
        tpu.vector_store_idx %parallel_loop3A_363[%parallel_loop3A_300], %parallel_loop3A_361 masked %parallel_loop3A_297 {add = true} : memref<384xf32, #tpu.memory_space<vmem>>[vector<16xi32>], vector<16xf32>, vector<16xi1>
        %parallel_loop3A_364 = arith.constant 1 : i32
        %parallel_loop3A_365 = arith.constant 7 : i32
        %parallel_loop3A_366 = arith.index_cast %parallel_loop3A_364 : i32 to index
        %parallel_loop3A_367 = arith.index_cast %parallel_loop3A_365 : i32 to index
        %parallel_loop3A_368 = arith.index_cast %parallel_loop3A_271 : i32 to index
        %parallel_loop3A_369 = arith.index_cast %parallel_loop3A_289 : i32 to index
        %parallel_loop3A_370 = tpu.vector_load %arg7[%parallel_loop3A_366, %parallel_loop3A_367, %parallel_loop3A_368, %parallel_loop3A_369] {strides = array<i32>} : memref<2x12x8x384xf32, #tpu.memory_space<vmem>>, vector<16xf32>,
        %parallel_loop3A_371 = arith.constant 2744 : i32
        %parallel_loop3A_372 = tpu.memref_slice %arg8[%parallel_loop3A_371] : memref<4704xf32, #tpu.memory_space<vmem>> -> memref<384xf32, #tpu.memory_space<vmem>>
        tpu.vector_store_idx %parallel_loop3A_372[%parallel_loop3A_300], %parallel_loop3A_370 masked %parallel_loop3A_297 {add = true} : memref<384xf32, #tpu.memory_space<vmem>>[vector<16xi32>], vector<16xf32>, vector<16xi1>
        %parallel_loop3A_373 = arith.constant 1 : i32
        %parallel_loop3A_374 = arith.constant 8 : i32
        %parallel_loop3A_375 = arith.index_cast %parallel_loop3A_373 : i32 to index
        %parallel_loop3A_376 = arith.index_cast %parallel_loop3A_374 : i32 to index
        %parallel_loop3A_377 = arith.index_cast %parallel_loop3A_271 : i32 to index
        %parallel_loop3A_378 = arith.index_cast %parallel_loop3A_289 : i32 to index
        %parallel_loop3A_379 = tpu.vector_load %arg7[%parallel_loop3A_375, %parallel_loop3A_376, %parallel_loop3A_377, %parallel_loop3A_378] {strides = array<i32>} : memref<2x12x8x384xf32, #tpu.memory_space<vmem>>, vector<16xf32>,
        %parallel_loop3A_380 = arith.constant 3136 : i32
        %parallel_loop3A_381 = tpu.memref_slice %arg8[%parallel_loop3A_380] : memref<4704xf32, #tpu.memory_space<vmem>> -> memref<384xf32, #tpu.memory_space<vmem>>
        tpu.vector_store_idx %parallel_loop3A_381[%parallel_loop3A_300], %parallel_loop3A_379 masked %parallel_loop3A_297 {add = true} : memref<384xf32, #tpu.memory_space<vmem>>[vector<16xi32>], vector<16xf32>, vector<16xi1>
        %parallel_loop3A_382 = arith.constant 1 : i32
        %parallel_loop3A_383 = arith.constant 9 : i32
        %parallel_loop3A_384 = arith.index_cast %parallel_loop3A_382 : i32 to index
        %parallel_loop3A_385 = arith.index_cast %parallel_loop3A_383 : i32 to index
        %parallel_loop3A_386 = arith.index_cast %parallel_loop3A_271 : i32 to index
        %parallel_loop3A_387 = arith.index_cast %parallel_loop3A_289 : i32 to index
        %parallel_loop3A_388 = tpu.vector_load %arg7[%parallel_loop3A_384, %parallel_loop3A_385, %parallel_loop3A_386, %parallel_loop3A_387] {strides = array<i32>} : memref<2x12x8x384xf32, #tpu.memory_space<vmem>>, vector<16xf32>,
        %parallel_loop3A_389 = arith.constant 3528 : i32
        %parallel_loop3A_390 = tpu.memref_slice %arg8[%parallel_loop3A_389] : memref<4704xf32, #tpu.memory_space<vmem>> -> memref<384xf32, #tpu.memory_space<vmem>>
        tpu.vector_store_idx %parallel_loop3A_390[%parallel_loop3A_300], %parallel_loop3A_388 masked %parallel_loop3A_297 {add = true} : memref<384xf32, #tpu.memory_space<vmem>>[vector<16xi32>], vector<16xf32>, vector<16xi1>
        %parallel_loop3A_391 = arith.constant 1 : i32
        %parallel_loop3A_392 = arith.constant 10 : i32
        %parallel_loop3A_393 = arith.index_cast %parallel_loop3A_391 : i32 to index
        %parallel_loop3A_394 = arith.index_cast %parallel_loop3A_392 : i32 to index
        %parallel_loop3A_395 = arith.index_cast %parallel_loop3A_271 : i32 to index
        %parallel_loop3A_396 = arith.index_cast %parallel_loop3A_289 : i32 to index
        %parallel_loop3A_397 = tpu.vector_load %arg7[%parallel_loop3A_393, %parallel_loop3A_394, %parallel_loop3A_395, %parallel_loop3A_396] {strides = array<i32>} : memref<2x12x8x384xf32, #tpu.memory_space<vmem>>, vector<16xf32>,
        %parallel_loop3A_398 = arith.constant 3920 : i32
        %parallel_loop3A_399 = tpu.memref_slice %arg8[%parallel_loop3A_398] : memref<4704xf32, #tpu.memory_space<vmem>> -> memref<384xf32, #tpu.memory_space<vmem>>
        tpu.vector_store_idx %parallel_loop3A_399[%parallel_loop3A_300], %parallel_loop3A_397 masked %parallel_loop3A_297 {add = true} : memref<384xf32, #tpu.memory_space<vmem>>[vector<16xi32>], vector<16xf32>, vector<16xi1>
        %parallel_loop3A_400 = arith.constant 1 : i32
        %parallel_loop3A_401 = arith.constant 11 : i32
        %parallel_loop3A_402 = arith.index_cast %parallel_loop3A_400 : i32 to index
        %parallel_loop3A_403 = arith.index_cast %parallel_loop3A_401 : i32 to index
        %parallel_loop3A_404 = arith.index_cast %parallel_loop3A_271 : i32 to index
        %parallel_loop3A_405 = arith.index_cast %parallel_loop3A_289 : i32 to index
        %parallel_loop3A_406 = tpu.vector_load %arg7[%parallel_loop3A_402, %parallel_loop3A_403, %parallel_loop3A_404, %parallel_loop3A_405] {strides = array<i32>} : memref<2x12x8x384xf32, #tpu.memory_space<vmem>>, vector<16xf32>,
        %parallel_loop3A_407 = arith.constant 4312 : i32
        %parallel_loop3A_408 = tpu.memref_slice %arg8[%parallel_loop3A_407] : memref<4704xf32, #tpu.memory_space<vmem>> -> memref<384xf32, #tpu.memory_space<vmem>>
        tpu.vector_store_idx %parallel_loop3A_408[%parallel_loop3A_300], %parallel_loop3A_406 masked %parallel_loop3A_297 {add = true} : memref<384xf32, #tpu.memory_space<vmem>>[vector<16xi32>], vector<16xf32>, vector<16xi1>
      } {sc.loop_unroll_factor = 8 : i64, sc.parallel_access}
      %add3A_240 = arith.constant 2 : i32
      %add3A_241 = arith.addi %add3A_195, %add3A_240 : i32
      %lt3A_242 = arith.constant 48 : i32
      %lt3A_243 = arith.cmpi slt, %add3A_241, %lt3A_242 : i32
      %convert_element_type3A_244 = arith.extui %lt3A_243 : i1 to i32
      %cond3A_245 = arith.constant 0 : i32
      %cond3A_246 = arith.cmpi ne, %convert_element_type3A_244, %cond3A_245 : i32
      scf.if %cond3A_246 {
        %add3A_247 = arith.constant 2 : i32
        %add3A_248 = arith.addi %add3A_195, %add3A_247 : i32
        %mul3A_249 = arith.constant 6 : i32
        %mul3A_250 = arith.muli %select_n3A_30, %mul3A_249 : i32
        %add3A_251 = arith.addi %add3A_248, %mul3A_250 : i32
        %rem3A_252 = arith.constant 48 : i32
        %rem3A_253 = arith.remsi %add3A_251, %rem3A_252 : i32
        %mul3A_254 = arith.constant 8 : i32
        %mul3A_255 = arith.muli %rem3A_253, %mul3A_254 : i32
        %mul3A_256 = arith.constant 12 : i32
        %mul3A_257 = arith.muli %select_n3A_30, %mul3A_256 : i32
        %dma_start3A_258 = arith.constant 1 : i32
        %dma_start3A_259 = arith.constant 0 : i32
        %dma_start3A_260 = arith.constant 0 : i32
        %dma_start3A_261 = tpu.memref_slice %arg6[%dma_start3A_258, %dma_start3A_259, %dma_start3A_260] : memref<2x8x384xi32, #tpu.memory_space<vmem>> -> memref<1x8x384xi32, #tpu.memory_space<vmem>>
        %dma_start3A_262 = tpu.memref_squeeze %dma_start3A_261 : memref<1x8x384xi32, #tpu.memory_space<vmem>> -> memref<8x384xi32, #tpu.memory_space<vmem>>
        %dma_start3A_263 = arith.constant 0 : i32
        %dma_start3A_264 = tpu.memref_slice %arg3[%select_n3A, %mul3A_255, %dma_start3A_263] : memref<4x384x384xi32, #tpu.memory_space<hbm>> -> memref<1x8x384xi32, #tpu.memory_space<hbm>>
        %dma_start3A_265 = tpu.memref_squeeze %dma_start3A_264 : memref<1x8x384xi32, #tpu.memory_space<hbm>> -> memref<8x384xi32, #tpu.memory_space<hbm>>
        %dma_start3A_266 = arith.constant 0 : i32
        %dma_start3A_267 = arith.constant 0 : i32
        %dma_start3A_268 = tpu.memref_slice %arg6[%dma_start3A_258, %dma_start3A_266, %dma_start3A_267] : memref<2x8x384xi32, #tpu.memory_space<vmem>> -> memref<1x8x384xi32, #tpu.memory_space<vmem>>
        %dma_start3A_269 = tpu.memref_squeeze %dma_start3A_268 : memref<1x8x384xi32, #tpu.memory_space<vmem>> -> memref<8x384xi32, #tpu.memory_space<vmem>>
        %dma_start3A_270 = arith.constant 0 : i32
        %dma_start3A_271 = tpu.memref_slice %arg3[%select_n3A, %mul3A_255, %dma_start3A_270] : memref<4x384x384xi32, #tpu.memory_space<hbm>> -> memref<1x8x384xi32, #tpu.memory_space<hbm>>
        %dma_start3A_272 = tpu.memref_squeeze %dma_start3A_271 : memref<1x8x384xi32, #tpu.memory_space<hbm>> -> memref<8x384xi32, #tpu.memory_space<hbm>>
        tpu.enqueue_dma source(%dma_start3A_272 : memref<8x384xi32, #tpu.memory_space<hbm>>) target(%dma_start3A_269 : memref<8x384xi32, #tpu.memory_space<vmem>>) target_semaphore(%arg11 : memref<!tpu.dma_semaphore, #tpu.memory_space<semaphore_mem>>)
        %dma_start3A_273 = arith.constant 1 : i32
        %dma_start3A_274 = arith.constant 0 : i32
        %dma_start3A_275 = arith.constant 0 : i32
        %dma_start3A_276 = arith.constant 0 : i32
        %dma_start3A_277 = tpu.memref_slice %arg7[%dma_start3A_273, %dma_start3A_274, %dma_start3A_275, %dma_start3A_276] : memref<2x12x8x384xf32, #tpu.memory_space<vmem>> -> memref<1x12x8x384xf32, #tpu.memory_space<vmem>>
        %dma_start3A_278 = tpu.memref_squeeze %dma_start3A_277 : memref<1x12x8x384xf32, #tpu.memory_space<vmem>> -> memref<12x8x384xf32, #tpu.memory_space<vmem>>
        %dma_start3A_279 = arith.constant 0 : i32
        %dma_start3A_280 = tpu.memref_slice %arg2[%select_n3A, %mul3A_257, %mul3A_255, %dma_start3A_279] : memref<4x96x384x384xf32, #tpu.memory_space<hbm>> -> memref<1x12x8x384xf32, #tpu.memory_space<hbm>>
        %dma_start3A_281 = tpu.memref_squeeze %dma_start3A_280 : memref<1x12x8x384xf32, #tpu.memory_space<hbm>> -> memref<12x8x384xf32, #tpu.memory_space<hbm>>
        %dma_start3A_282 = arith.constant 0 : i32
        %dma_start3A_283 = arith.constant 0 : i32
        %dma_start3A_284 = arith.constant 0 : i32
        %dma_start3A_285 = tpu.memref_slice %arg7[%dma_start3A_273, %dma_start3A_282, %dma_start3A_283, %dma_start3A_284] : memref<2x12x8x384xf32, #tpu.memory_space<vmem>> -> memref<1x12x8x384xf32, #tpu.memory_space<vmem>>
        %dma_start3A_286 = tpu.memref_squeeze %dma_start3A_285 : memref<1x12x8x384xf32, #tpu.memory_space<vmem>> -> memref<12x8x384xf32, #tpu.memory_space<vmem>>
        %dma_start3A_287 = arith.constant 0 : i32
        %dma_start3A_288 = tpu.memref_slice %arg2[%select_n3A, %mul3A_257, %mul3A_255, %dma_start3A_287] : memref<4x96x384x384xf32, #tpu.memory_space<hbm>> -> memref<1x12x8x384xf32, #tpu.memory_space<hbm>>
        %dma_start3A_289 = tpu.memref_squeeze %dma_start3A_288 : memref<1x12x8x384xf32, #tpu.memory_space<hbm>> -> memref<12x8x384xf32, #tpu.memory_space<hbm>>
        tpu.enqueue_dma source(%dma_start3A_289 : memref<12x8x384xf32, #tpu.memory_space<hbm>>) target(%dma_start3A_286 : memref<12x8x384xf32, #tpu.memory_space<vmem>>) target_semaphore(%arg11 : memref<!tpu.dma_semaphore, #tpu.memory_space<semaphore_mem>>)
      } else {
      }
    }
    %scan3A_131 = arith.constant 24 : i32
    %scan3A_132 = arith.constant 0 : i32
    %scan3A_133 = arith.constant 0 : i32
    %scan3A_134 = arith.constant 288 : i32
    %scan3A_135 = arith.addi %scan3A_133, %scan3A_134 : i32
    %scan3A_136 = arith.constant 1 : i32
    scf.for %scan3A_140 = %scan3A_133 to %scan3A_135 step %scan3A_136  : i32 {
      %jit3A_141 = arith.constant 24 : i32
      %div3A_142 = arith.divsi %scan3A_140, %jit3A_141 : i32
      %sign3A_143 = arith.constant 0 : i32
      %sign3A_144 = arith.cmpi sgt, %scan3A_140, %sign3A_143 : i32
      %sign3A_145 = arith.extui %sign3A_144 : i1 to i32
      %sign3A_146 = arith.constant 0 : i32
      %sign3A_147 = arith.cmpi slt, %scan3A_140, %sign3A_146 : i32
      %sign3A_148 = arith.extui %sign3A_147 : i1 to i32
      %sign3A_149 = arith.subi %sign3A_145, %sign3A_148 : i32
      %sign3A_150 = arith.constant 0 : i32
      %sign3A_151 = arith.cmpi sgt, %jit3A_141, %sign3A_150 : i32
      %sign3A_152 = arith.extui %sign3A_151 : i1 to i32
      %sign3A_153 = arith.constant 0 : i32
      %sign3A_154 = arith.cmpi slt, %jit3A_141, %sign3A_153 : i32
      %sign3A_155 = arith.extui %sign3A_154 : i1 to i32
      %sign3A_156 = arith.subi %sign3A_152, %sign3A_155 : i32
      %ne3A_157 = arith.cmpi ne, %sign3A_149, %sign3A_156 : i32
      %rem3A_158 = arith.remsi %scan3A_140, %jit3A_141 : i32
      %ne3A_159 = arith.constant 0 : i32
      %ne3A_160 = arith.cmpi ne, %rem3A_158, %ne3A_159 : i32
      %and3A_161 = arith.andi %ne3A_157, %ne3A_160 : i1
      %sub3A_162 = arith.constant 1 : i32
      %sub3A_163 = arith.subi %div3A_142, %sub3A_162 : i32
      %select_n3A_164 = arith.select %and3A_161, %sub3A_163, %div3A_142 : i32
      %rem3A_165 = arith.constant 24 : i32
      %rem3A_166 = arith.remsi %scan3A_140, %rem3A_165 : i32
      %mul3A_167 = arith.constant 16 : i32
      %mul3A_168 = arith.muli %rem3A_166, %mul3A_167 : i32
      %mul3A_169 = arith.constant 392 : i32
      %mul3A_170 = arith.muli %select_n3A_164, %mul3A_169 : i32
      %add3A_171 = arith.addi %mul3A_170, %mul3A_168 : i32
      %get3A = arith.index_cast %add3A_171 : i32 to index
      %get3A_172 = tpu.vector_load %arg8[%get3A] {strides = array<i32>} : memref<4704xf32, #tpu.memory_space<vmem>>, vector<16xf32>,
      %get3A_173 = arith.index_cast %mul3A_168 : i32 to index
      %get3A_174 = tpu.vector_load %arg9[%get3A_173] {strides = array<i32>} : memref<384xf32, #tpu.memory_space<vmem>>, vector<16xf32>,
      %div3A_175 = arith.divf %get3A_172, %get3A_174 : vector<16xf32>
      %mul3A_176 = arith.constant 16 : i32
      %mul3A_177 = arith.muli %scan3A_140, %mul3A_176 : i32
      %swap3A = arith.index_cast %mul3A_177 : i32 to index
      %swap3A_178 = tpu.vector_load %arg8[%swap3A] {strides = array<i32>} : memref<4704xf32, #tpu.memory_space<vmem>>, vector<16xf32>,
      tpu.vector_store %arg8[%swap3A], %div3A_175 {strides = array<i32>} : memref<4704xf32, #tpu.memory_space<vmem>>, vector<16xf32>,
    }
    %scan3A_137 = arith.constant 288 : i32
    %mul3A_138 = arith.constant 384 : i32
    %mul3A_139 = arith.muli %add3A_35, %mul3A_138 : i32
    "tpu.region"() ({
      %run_scoped3A = tpu.sem_alloc : memref<!tpu.dma_semaphore, #tpu.memory_space<semaphore_mem>>
      %dma_start3A_140 = arith.constant 0 : i32
      %dma_start3A_141 = tpu.memref_slice %arg8[%dma_start3A_140] : memref<4704xf32, #tpu.memory_space<vmem>> -> memref<4608xf32, #tpu.memory_space<vmem>>
      %dma_start3A_142 = tpu.memref_slice %arg5[%mul3A_139] : memref<147456xf32, #tpu.memory_space<hbm>> -> memref<4608xf32, #tpu.memory_space<hbm>>
      %dma_start3A_143 = tpu.memref_slice %arg5[%mul3A_139] : memref<147456xf32, #tpu.memory_space<hbm>> -> memref<4608xf32, #tpu.memory_space<hbm>>
      %dma_start3A_144 = arith.constant 0 : i32
      %dma_start3A_145 = tpu.memref_slice %arg8[%dma_start3A_144] : memref<4704xf32, #tpu.memory_space<vmem>> -> memref<4608xf32, #tpu.memory_space<vmem>>
      tpu.enqueue_dma source(%dma_start3A_145 : memref<4608xf32, #tpu.memory_space<vmem>>) target(%dma_start3A_143 : memref<4608xf32, #tpu.memory_space<hbm>>) target_semaphore(%run_scoped3A : memref<!tpu.dma_semaphore, #tpu.memory_space<semaphore_mem>>)
      %dma_wait3A = arith.constant 0 : i32
      %dma_wait3A_146 = tpu.memref_slice %arg8[%dma_wait3A] : memref<4704xf32, #tpu.memory_space<vmem>> -> memref<4608xf32, #tpu.memory_space<vmem>>
      %dma_wait3A_147 = tpu.memref_slice %arg5[%mul3A_139] : memref<147456xf32, #tpu.memory_space<hbm>> -> memref<4608xf32, #tpu.memory_space<hbm>>
      %dma_wait3A_148 = tpu.memref_slice %arg5[%mul3A_139] : memref<147456xf32, #tpu.memory_space<hbm>> -> memref<4608xf32, #tpu.memory_space<hbm>>
      %dma_wait3A_149 = arith.constant 0 : i32
      %dma_wait3A_150 = tpu.memref_slice %arg8[%dma_wait3A_149] : memref<4704xf32, #tpu.memory_space<vmem>> -> memref<4608xf32, #tpu.memory_space<vmem>>
      tpu.wait_dma2 semaphore(%run_scoped3A : memref<!tpu.dma_semaphore, #tpu.memory_space<semaphore_mem>>) src(%dma_wait3A_150 : memref<4608xf32, #tpu.memory_space<vmem>>) dst(%dma_wait3A_148 : memref<4608xf32, #tpu.memory_space<hbm>>)
      tpu.yield
    }) : () -> ()
    return
  }
}

</mosaic_0001>

<sc_bundles>
// kernel: _run.3.cloned.1.call-start
scs
__scs_entry_jumppad:
0x0: {  	(pc) =	sbr.rel $0x88, $3  }
0x1: {  	(tag) =	ssettag $0x0;
	lr =	simm.s32 $0x1  }
0x2: {  	[smem:$0x3F9E] =	sst lr;
	_ =	strace $0xD0000000  }
0x3: {  	_ = 	snop  }
0x4: {  	_ = 	snop  }
0x5: {  	_ = 	snop  }
0x6: {  	_ = 	snop  }
0x7: {  	_ = 	snop  }
__scs_overlays_trampoline_lowered:
0x8: {  	[smem:$0x3FAD] =	sst s0  }
0x9: {  	[smem:$0x3FAE] =	sst s1  }
0xa: {  	[smem:$0x3FAF] =	sst s2  }
0xb: {  	[smem:$0x3FB0] =	sst s3  }
0xc: {  	[smem:$0x3FB1] =	sst s4  }
0xd: {  	[smem:$0x3FB2] =	sst s5  }
0xe: {  	[smem:$0x3FB3] =	sst s6  }
0xf: {  	[smem:$0x3FB4] =	sst s7  }
0x10: {  	[smem:$0x3FB5] =	sst s8  }
0x11: {  	[smem:$0x3FB6] =	sst s9;
	s0 =	simm.s32 @!p0 $0x0  }
0x12: {  	s1 =	sld [smem:$0x3F9C];
	s0 =	simm.s32 @p0 $0x1  }
0x13: {  	[smem:$0x3FB7] =	sst s0;
	s0 =	simm.s32 @!p1 $0x0  }
0x14: {  	s2 =	sld [smem:$0x3F9B];
	s0 =	simm.s32 @p1 $0x1  }
0x15: {  	[smem:$0x3FB8] =	sst s0;
	s0 =	simm.s32 @!p2 $0x0  }
0x16: {  	s3 =	sld [smem:$0x3FDB];
	s0 =	simm.s32 @p2 $0x1  }
0x17: {  	s4 =	simm.s32 $0x1BF5;
	[smem:$0x3FBA] =	sst s0  }
0x18: {  	s0 =	sld [smem:$0x3F9D];
	_ =	swait.ge [sflag:s4], $0x0  }
0x19: {  	s7 =	sld [smem:$0x3F9E]  }
0x1a: {  	s8 =	sadd.s32 $0xFFFFE003, lr  }
0x1b: {  	s9 =	sadd.s32 $0xFFFFFEF7, lr;
	s5 =	simm.s32 $0xFFFFFFFF;
	p2 =	slt.u32 s8, $0xFFFFF086  }
0x1c: {  	p1 =	slt.u32 s9, $0xF7A;
	s5 =	simm.s32 @!p2 $0x0  }
0x1d: {  	s5 =	simm.s32 @p1 $0x1;
	p0 =	seq.s32 s7, s2  }
0x1e: {  	s7 =	smul.u32 @!p0 $0xF7A, s2;
	p2 =	seq.s32 @!p0 s5, $0x0  }
0x1f: {  	s9 =	smul.u32 $0xF7A, s1;
	s8 =	simm.s32 @!p0 $0x1BF5;
	p2 =	por !p2, p0  }
0x20: {  	[sflag:s8] =	ssyncset.s32 @!p0 $0xFFFFF086;
	s6 =	sadd.s32 @!p0 s3, s7;
	s7 =	simm.s32 @!p0 $0x108  }
0x21: {  	s3 =	sadd.s32 s3, s9;
	s6 =	sadd.s32 @!p0 $0x88, s6;
	s7 =	simm.s32 @p2 $0x1082  }
0x22: {  	[simem:s7], [sflag:s8] =	dma.local @!p0 [hbm:s6], $0xF7A  }
0x23: {  	s9 =	sor.u32 $0xD0000000, s2;
	s6 =	simm.s32 $0x108;
	_ =	swait.ge @!p0 [sflag:s8], $0x0  }
0x24: {  	s3 =	sadd.s32 $0x88, s3;
	s6 =	simm.s32 @!p1 $0x1082;
	[sflag:s4] =	ssyncset.s32 $0xFFFFF086  }
0x25: {  	[simem:s6], [sflag:s4] =	dma.local [hbm:s3], $0xF7A  }
0x26: {  	[smem:$0x3F9E] =	sst s1;
	(tag) =	ssettag s2;
	_ =	strace s9  }
0x27: {  	s1 =	sld [smem:$0x3FAE]  }
0x28: {  	s2 =	sld [smem:$0x3FAF]  }
0x29: {  	s4 =	sld [smem:$0x3FB1]  }
0x2a: {  	p0 =	seq.s32 s5, $0x0;
	s5 =	sld [smem:$0x3FB2]  }
0x2b: {  	s6 =	sld [smem:$0x3FB3]  }
0x2c: {  	s7 =	sld [smem:$0x3FB4]  }
0x2d: {  	s3 =	simm.s32 $0x108;
	s8 =	sld [smem:$0x3FB5]  }
0x2e: {  	s3 =	simm.s32 @!p0 $0x1082;
	s9 =	sld [smem:$0x3FB6]  }
0x2f: {  	lr =	sadd.s32 s0, s3;
	s0 =	sld [smem:$0x3FAD]  }
0x30: {  	s3 =	sld [smem:$0x3FB0]  }
0x31: {  	[smem:$0x3FB9] =	sst s10  }
0x32: {  	s10 =	sld [smem:$0x3FB7];
	_ =	sdelay $0x3  }
0x33: {  	p0 =	seq.s32 s10, $0x1;
	s10 =	sld [smem:$0x3FB9];
	_ =	sdelay $0x3  }
0x34: {  	[smem:$0x3FB9] =	sst s10  }
0x35: {  	s10 =	sld [smem:$0x3FB8];
	_ =	sdelay $0x3  }
0x36: {  	p1 =	seq.s32 s10, $0x1;
	s10 =	sld [smem:$0x3FB9];
	_ =	sdelay $0x3  }
0x37: {  	[smem:$0x3FB9] =	sst s10  }
0x38: {  	s10 =	sld [smem:$0x3FBA]  }
0x39: {  	_ = 	snop;
	(pc) =	sbr.ind lr, $3  }
0x3a: {  	_ = 	snop  }
0x3b: {  	_ = 	snop  }
0x3c: {  	p2 =	seq.s32 s10, $0x1;
	s10 =	sld [smem:$0x3FB9]  }
0x3d: {  	_ =	shalt  }
0x3e: {  	_ =	shalt  }
0x3f: {  	_ =	shalt  }
0x40: {  	_ =	shalt  }
0x41: {  	_ =	shalt  }
0x42: {  	_ =	shalt  }
0x43: {  	_ =	shalt  }
0x44: {  	_ =	shalt  }
0x45: {  	_ =	shalt  }
0x46: {  	_ =	shalt  }
0x47: {  	_ =	shalt  }
0x48: {  	_ =	shalt  }
0x49: {  	_ =	shalt  }
0x4a: {  	_ =	shalt  }
0x4b: {  	_ =	shalt  }
0x4c: {  	_ =	shalt  }
0x4d: {  	_ =	shalt  }
0x4e: {  	_ =	shalt  }
0x4f: {  	_ =	shalt  }
0x50: {  	_ =	shalt  }
0x51: {  	_ =	shalt  }
0x52: {  	_ =	shalt  }
0x53: {  	_ =	shalt  }
0x54: {  	_ =	shalt  }
0x55: {  	_ =	shalt  }
0x56: {  	_ =	shalt  }
0x57: {  	_ =	shalt  }
0x58: {  	_ =	shalt  }
0x59: {  	_ =	shalt  }
0x5a: {  	_ =	shalt  }
0x5b: {  	_ =	shalt  }
0x5c: {  	_ =	shalt  }
0x5d: {  	_ =	shalt  }
0x5e: {  	_ =	shalt  }
0x5f: {  	_ =	shalt  }
0x60: {  	_ =	shalt  }
0x61: {  	_ =	shalt  }
0x62: {  	_ =	shalt  }
0x63: {  	_ =	shalt  }
0x64: {  	_ =	shalt  }
0x65: {  	_ =	shalt  }
0x66: {  	_ =	shalt  }
0x67: {  	_ =	shalt  }
0x68: {  	_ =	shalt  }
0x69: {  	_ =	shalt  }
0x6a: {  	_ =	shalt  }
0x6b: {  	_ =	shalt  }
0x6c: {  	_ =	shalt  }
0x6d: {  	_ =	shalt  }
0x6e: {  	_ =	shalt  }
0x6f: {  	_ =	shalt  }
0x70: {  	_ =	shalt  }
0x71: {  	_ =	shalt  }
0x72: {  	_ =	shalt  }
0x73: {  	_ =	shalt  }
0x74: {  	_ =	shalt  }
0x75: {  	_ =	shalt  }
0x76: {  	_ =	shalt  }
0x77: {  	_ =	shalt  }
0x78: {  	_ =	shalt  }
0x79: {  	_ =	shalt  }
0x7a: {  	_ =	shalt  }
0x7b: {  	_ =	shalt  }
0x7c: {  	_ =	shalt  }
0x7d: {  	_ =	shalt  }
0x7e: {  	_ =	shalt  }
0x7f: {  	_ =	shalt  }
0x80: {  	_ =	shalt  }
0x81: {  	_ =	shalt  }
0x82: {  	_ =	shalt  }
0x83: {  	_ =	shalt  }
0x84: {  	_ =	shalt  }
0x85: {  	_ =	shalt  }
0x86: {  	_ =	shalt  }
0x87: {  	_ =	shalt  }
.Lfunc_end0:
.L_simem_size_0:
called_computation_lowered:
.L_overlay_start_0:
0x88: {  	s2 =	sld [smem:$0x3FD9]  }
0x89: {  	s3 =	sld [smem:$0x3FFE];
	_ =	sdelay $0x1  }
0x8a: {  	s1 =	srdreg.scid  }
0x8b: {  	s0 =	sand.u32 $0x1, s1  }
0x8c: {  	s18 =	sshll.u32 s0, $0xA;
	s2 =	sadd.s32 s3, s2  }
0x8d: {  	s2 =	sadd.s32 s2, s18  }
0x8e: {  	[smem:$0x3FC5] =	sst s2  }
0x8f: {  	_ = 	snop  }
0x90: {  	s2 =	sld [smem:$0x3FC9]  }
0x91: {  	s19 =	sld [smem:$0x3FC8]  }
0x92: {  	s4 =	sld [smem:$0x3FC7]  }
0x93: {  	s5 =	sld [smem:$0x3FD0];
	(tm) =	ssettm $0x1  }
0x94: {  	s6 =	sld [smem:$0x3FFB];
	_ =	sdelay $0x3  }
0x95: {  	_ =	strace s6  }
0x96: {  	s6 =	sld [smem:$0x3FFC];
	_ =	sdelay $0x3  }
0x97: {  	_ =	strace s6  }
0x98: {  	s6 =	sld [smem:$0x3FFD];
	_ =	sdelay $0x3  }
0x99: {  	_ =	strace s6  }
0x9a: {  	_ =	strace $0x8FFFFFFF  }
0x9b: {  	s20 =	sld [smem:$0x3FDB];
	_ =	sdelay $0x1  }
0x9c: {  	s7 =	simm.s32 $_scs_section_size  }
0x9d: {  	s8 =	simm.s32 $_size__tile_overlayer_lowered;
	s9 =	simm.s32 $_tile_overlayer_lowered  }
0x9e: {  	s23 =	simm.s32 $0x1BFF;
	s22 =	sshll.u32 s9, $0x1;
	s6 =	sadd.s32 s7, s20  }
0x9f: {  	s10 =	simm.s32 $0x0;
	s21 =	sshll.u32 s8, $0x1;
	s8 =	sadd.s32 s22, s6  }
0xa0: {  	[timem:s10], [sflag:s23] =	dma.local [hbm:s8], s21  }
0xa1: {  	_ =	swait.ge [sflag:s23], s21  }
0xa2: {  	s7 =	ssub.s32 $0x0, s21;
	[sflag:s23] =	ssyncset.done $0x0  }
0xa3: {  	[sflag:s23] =	ssyncadd.s32 s7;
	_ =	sdelay $0x1  }
0xa4: {  	s24 =	simm.s32 $0x1B8B  }
0xa5: {  	_ =	swait.ge [sflag:s24], $0x1  }
0xa6: {  	[sflag:s24] =	ssyncset.done $0x0  }
0xa7: {  	s25 =	simm.s32 $0x1B8E;
	[sflag:s24] =	ssyncadd.s32 $0xFFFFFFFF  }
0xa8: {  	s26 =	simm.s32 $execute0_lowered;
	[smem:$0x3FD2] =	sst s25  }
0xa9: {  	s7 =	sshll.u32 s26, $0x1;
	_ =	strace $0x80000046;
	[dreg:$0x1] =	wrdreg $0xFFFFFFFF  }
0xaa: {  	s28 =	simm.s32 $_size_execute0_lowered;
	s6 =	sadd.s32 s6, s7;
	[dreg:$0x0] =	wrdreg $0x0  }
0xab: {  	s7 =	sshll.u32 s28, $0x1;
	[dreg:$0x2] =	wrdreg s6  }
0xac: {  	[dreg:$0x3] =	wrdreg s7  }
0xad: {  	[dreg:$0x4] =	wrdreg $0xC0  }
0xae: {  	_ =	task [dreg:s10], $0x5FFFF  }
0xaf: {  	[dreg:$0x1] =	wrdreg $0xFFFFFFFF  }
0xb0: {  	[dreg:$0x0] =	wrdreg $0x60  }
0xb1: {  	[dreg:$0x2] =	wrdreg s2  }
0xb2: {  	[dreg:$0x3] =	wrdreg s19  }
0xb3: {  	[dreg:$0x4] =	wrdreg s4  }
0xb4: {  	[dreg:$0x5] =	wrdreg s5  }
0xb5: {  	[dreg:$0x6] =	wrdreg $0x9  }
0xb6: {  	_ =	task.clear_ibuf [dreg:s10], $0x7FFFF;
	_ =	strace $0x90000046  }
0xb7: {  	s29 =	simm.s32 $0x9;
	_ =	strace $0x80000048  }
0xb8: {  	_ =	swait.ge [sflag:s29], $0x1  }
0xb9: {  	[sflag:s29] =	ssyncadd.s32 $0xFFFFFFFF  }
0xba: {  	_ =	strace $0x90000048  }
0xbb: {  	_ =	sfence  }
0xbc: {  	s30 =	sld [smem:$0x0];
	_ =	sdelay $0x2  }
0xbd: {  	s31 =	sshll.u32 s1, $0xD;
	s1 =	sshrl.u32 s1, $0x2  }
0xbe: {  	s3 =	sand.u32 $0x4000, s31;
	s1 =	sadd.s32 s1, s30  }
0xbf: {  	s0 =	sor.u32 s3, s0;
	s1 =	sshll.u32 s1, $0x11  }
0xc0: {  	s0 =	sor.u32 s1, s0  }
0xc1: {  	s0 =	sadd.s32 $0x8F2B, s0  }
0xc2: {  	[sflag:s0] =	ssyncadd.remote.s32 $0x1  }
0xc3: {  	_ =	sfence.sel $0xFFFF  }
0xc4: {  	[dreg:$0x0] =	wrdreg $0xFFFFFFFF;
	(pc) =	sbr.abs _section_cstart, $3  }
0xc5: {  	[dreg:$0x1] =	wrdreg $0xFFFFFFFF  }
0xc6: {  	_ =	task.clear_ibuf [dreg:s10], $0x2FFFF;
	_ =	strace $0x9FFFFFFF  }
0xc7: {  	(tm) =	ssettm $0x7FFFFFFF  }
tec
execute0_lowered:
.L_overlay_start_1:
0x0: {  	(tag) =	ssettag $0x1  }
0x1: {  	s10 =	rddreg [dreg:$0x0]  }
0x2: {  	s11 =	rddreg [dreg:$0x1]  }
0x3: {  	s0 =	srdreg.scid;
	s14 =	rddreg [dreg:$0x2]  }
0x4: {  	s2 =	stileid.u32;
	s3 =	simm.s32 $0x1;
	s5 =	rddreg [dreg:$0x3]  }
0x5: {  	s8 =	simm.s32 $0x0;
	s28 =	simm.s32 $0x13988;
	s29 =	simm.s32 $0x13FA8  }
0x6: {  	s30 =	simm.s32 $0x14130;
	s31 =	simm.s32 $0x142B8;
	s0 =	sand.u32 $0x1, s0  }
0x7: {  	[smem:$0x7FF] =	sst s8;
	s1 =	sshll.u32 s0, $0x4;
	s0 =	ssub.s32 $0x2, s0  }
0x8: {  	_ =	strace $0x80000047;
	s1 =	sor.u32 s2, s1;
	s2 =	sand.u32 $0x7, s2  }
0x9: {  	p0 =	seq.s32 s1, $0x0;
	p1 =	sne.s32 s2, $0x0;
	s6 =	smul.u32 $0x1200, s2  }
0xa: {  	s15 =	sshrl.u32 s0, $0x1;
	s9 =	smul.u32 $0x4800, s2;
	p0 =	por !p1, !p0  }
0xb: {  	s1 =	sshrl.u32 s1, $0x3;
	s16 =	smul.u32 $0x1B0000, s2;
	p0 =	por !p0, !p0  }
0xc: {  	s0 =	ssub.s32 s0, s15;
	s2 =	smul.u32 $0x6, s2;
	s3 =	simm.s32 @!p0 $0x0  }
0xd: {  	s0 =	smax.u32 s0, $0x1;
	s21 =	sadd.s32 $0xC00, s9;
	s1 =	ssub.s32 s1, s3  }
0xe: {  	s26 =	sadd.s32 $0x2, s2;
	[dreg:$0xf] =	wrdreg s0;
	s4 =	smul.u32 $0x9000, s1  }
0xf: {  	s2 =	sadd.s32 $0x3, s2;
	[dreg:$0xc] =	wrdreg s26;
	s7 =	smul.u32 $0x180, s1  }
0x10: {  	s0 =	simm.s32 $0x145C8;
	[dreg:$0xd] =	wrdreg s2;
	s12 =	smul.u32 $0x24000, s1  }
0x11: {  	s26 =	simm.s32 $0x13800;
	s2 =	simm.s32 $0x14440;
	s1 =	smul.u32 $0xD80000, s1  }
0x12: {  	s7 =	sshrl.u32 s7, $0x3;
	s4 =	sadd.s32 s6, s4;
	s17 =	sadd.s32 s9, s12  }
0x13: {  	s18 =	sadd.s32 s16, s1;
	[dreg:$0x5] =	wrdreg s12;
	s22 =	sadd.s32 s21, s12  }
0x14: {  	s3 =	sadd.s32 s14, s7;
	s20 =	sadd.s32 s9, s18;
	[dreg:$0x7] =	wrdreg s18  }
0x15: {  	s23 =	sshrl.u32 s22, $0x3;
	s25 =	sshrl.u32 s4, $0x3;
	s4 =	simm.s32 $0x3  }
0x16: {  	[dreg:$0x6] =	wrdreg s3;
	s3 =	sshrl.u32 s17, $0x3;
	s1 =	sshrl.u32 s20, $0x3  }
0x17: {  	s17 =	simm.s32 $0x14750;
	s19 =	sadd.s32 s11, s3;
	s3 =	sadd.s32 s21, s18  }
0x18: {  	s1 =	sadd.s32 s10, s1;
	s21 =	simm.s32 $0x148D8;
	[dreg:$0x8] =	wrdreg s19  }
0x19: {  	[dreg:$0x9] =	wrdreg s1;
	s3 =	sshrl.u32 s3, $0x3;
	s1 =	sadd.s32 s11, s23  }
0x1a: {  	s23 =	simm.s32 $0x13E20;
	[dreg:$0xa] =	wrdreg s1;
	s24 =	sadd.s32 s10, s3  }
0x1b: {  	s1 =	sadd.s32 s5, s25;
	s25 =	simm.s32 $0x13B10;
	[dreg:$0xb] =	wrdreg s24  }
0x1c: {  	v0 =	vimm.f32 $0.0e+00;
	s10 =	simm.s32 $0x13C98;
	s3 =	simm.s32 $0x0;
	[dreg:$0xe] =	wrdreg s1  }
.LBB2_1:
0x1d: {  	[dreg:$0x10] =	wrdreg s3;
	s1 =	simm.s32 $0x40;
	s3 =	simm.s32 $0x0  }
.LBB2_2:
0x1e: {  	p0 =	sne.s32 s1, $0x4940;
	[tilespmem:s3+$0x13800] =	vst v0;
	s3 =	smov.u32 s1;
	s1 =	sadd.s32 $0x40, s1  }
.Ltmp0:
0x1f: {  	(pc) =	sbr.rel @p0 .LBB2_2-.Ltmp0, $2  }
0x20: {  	_ =	sdelay $0x2  }
0x21: {  	s3 =	sshra.s32 s3, $0x2  }
0x22: {  	[tilespmem:s3+$0x13800] =	vst v0;
	s6 =	simm.s32 $0x0;
	s1 =	rddreg [dreg:$0x6];
	s13 =	simm.s32 $0x14A80  }
0x23: {  	[tilespmem:s13], [sflag:$0x3] =	stream.linear.gather [hbm4b:s1+s6], $0x180, $0x38;
	[tilespmem:$0x14C00] =	vst v63  }
0x24: {  	s20 =	simm.s32 $0x0;
	_ =	swait.ge [sflag:s4], $0x180  }
0x25: {  	[dreg:$0x11] =	wrdreg s20;
	[sflag:s4] =	ssyncset.done $0x0  }
0x26: {  	s16 =	simm.s32 $0xC00;
	s14 =	rddreg [dreg:$0x8];
	[sflag:s4] =	ssyncadd.s32 $0xFFFFFE80  }
0x27: {  	[tilespmem:s6], [sflag:$0x1] =	stream.linear.gather [hbm4b:s14+s6], $0xC00, $0x38;
	[tilespmem:$0x14C00] =	vst v63  }
0x28: {  	s18 =	simm.s32 $0x24000;
	s5 =	simm.s32 $0x1800;
	s15 =	rddreg [dreg:$0x9]  }
0x29: {  	[tilespmem:s5], [sflag:$0x1] =	stream.strided.gather [hbm4b:s15+s16], $0x9000, s18, s16, $0x38;
	[tilespmem:$0x14C00] =	vst v63  }
0x2a: {  	s19 =	rddreg [dreg:$0xa]  }
0x2b: {  	[tilespmem:s16], [sflag:$0x2] =	stream.linear.gather [hbm4b:s19+s6], $0xC00, $0x38;
	[tilespmem:$0x14C00] =	vst v63  }
0x2c: {  	s24 =	simm.s32 $0xA800;
	s22 =	rddreg [dreg:$0xb]  }
0x2d: {  	[tilespmem:s24], [sflag:$0x2] =	stream.strided.gather [hbm4b:s22+s16], $0x9000, s18, s16, $0x38;
	[tilespmem:$0x14C00] =	vst v63  }
.LBB2_4:
0x2e: {  	s11 =	simm.s32 $0x0  }
0x2f: {  	s7 =	simm.s32 $0x1;
	s1 =	sor.u32 $0x7, s11  }
0x30: {  	s3 =	smul.u32 $0xAB, s11;
	_ =	swait.ge [sflag:s7], $0xC00;
	s18 =	sor.u32 $0x1, s11  }
0x31: {  	s8 =	sor.u32 $0x2, s11;
	s13 =	sor.u32 $0x3, s11;
	s4 =	sand.u32 $0xFF, s1  }
0x32: {  	[sflag:s7] =	ssyncset.done $0x0;
	s19 =	sand.u32 $0xFF, s18;
	s12 =	sand.u32 $0xFF, s8  }
0x33: {  	s4 =	smul.u32 $0xAB, s4;
	s5 =	sshrl.u32 s3, $0xC;
	[sflag:s7] =	ssyncadd.s32 $0xFFFFF400  }
0x34: {  	s3 =	sshrl.u32 s3, $0x5;
	s20 =	smul.u32 $0xAB, s12;
	s5 =	sand.u32 $0xF, s5  }
0x35: {  	_ =	swait.ge [sflag:s7], $0x9000;
	s6 =	sshrl.u32 s5, $0x3;
	s5 =	smul.u32 $0x18, s5  }
0x36: {  	s4 =	sshrl.u32 s4, $0x9;
	[sflag:s7] =	ssyncset.done $0x0;
	s9 =	smul.u32 $0xC00, s6  }
0x37: {  	s4 =	sand.u32 $0x18, s4;
	[sflag:s7] =	ssyncadd.s32 $0xFFFF7000;
	s7 =	smul.u32 $0xAB, s19  }
0x38: {  	s22 =	sshrl.u32 s20, $0x9;
	s1 =	sadd.s32 s4, s1;
	s5 =	ssub.s32 $0x0, s5  }
0x39: {  	s1 =	sshll.u32 s1, $0x7;
	s4 =	sadd.s32 $0x1800, s9;
	s7 =	sshrl.u32 s7, $0x9  }
0x3a: {  	s5 =	sand.u32 $0xFF, s5;
	s14 =	sand.u32 $0xC00, s1;
	s1 =	sand.u32 $0x380, s3  }
0x3b: {  	s7 =	sand.u32 $0x18, s7;
	s5 =	sshll.u32 s5, $0x7;
	s15 =	sadd.s32 s9, s14  }
0x3c: {  	s16 =	sadd.s32 s14, s4;
	s6 =	sadd.s32 s7, s18;
	s14 =	sadd.s32 s5, s9  }
0x3d: {  	s5 =	sand.u32 $0x18, s22;
	s3 =	sor.u32 s1, s15;
	s15 =	sand.u32 $0xFF, s13  }
0x3e: {  	s6 =	sshll.u32 s6, $0x7;
	s5 =	sadd.s32 s5, s8;
	s15 =	smul.u32 $0xAB, s15  }
0x3f: {  	s12 =	sand.u32 $0xC00, s6;
	s5 =	sshll.u32 s5, $0x7  }
0x40: {  	v1 =	vld [tilespmem:s3+$0x70];
	s6 =	sadd.s32 s9, s12;
	s5 =	sand.u32 $0xC00, s5;
	s15 =	sshrl.u32 s15, $0x9  }
0x41: {  	s6 =	sor.u32 s1, s6;
	s22 =	sadd.s32 s9, s5;
	s15 =	sand.u32 $0x18, s15  }
0x42: {  	v3 =	vld [tilespmem:s6+$0x10];
	s13 =	sadd.s32 s15, s13;
	s15 =	sor.u32 s1, s22  }
0x43: {  	v5 =	vld [tilespmem:s15+$0x20]  }
0x44: {  	s13 =	sshll.u32 s13, $0x7  }
0x45: {  	v9 =	vld [tilespmem:s6+$0x1810];
	vm7 =	vgt.s32 v1, $0xFFFFFFFF;
	s6 =	sand.u32 $0xC00, s13  }
0x46: {  	v8 =	vand.u32 $0x1FF, v1;
	v1 =	vld [tilespmem:s3+$0x1870];
	s22 =	sadd.s32 s9, s6  }
0x47: {  	s3 =	sor.u32 s1, s16;
	s16 =	sor.u32 $0x4, s11;
	v10 =	vld [tilespmem:s15+$0x1820];
	s15 =	sor.u32 s1, s22;
	vm4 =	vgt.s32 v3, $0xFFFFFFFF  }
0x48: {  	s20 =	sand.u32 $0xFF, s16;
	v6 =	vand.u32 $0x1FF, v3;
	v11 =	vld [tilespmem:s15+$0x30];
	vm5 =	vgt.s32 v5, $0xFFFFFFFF  }
0x49: {  	s19 =	sor.u32 $0x6, s11;
	s8 =	smul.u32 $0xAB, s20;
	v7 =	vand.u32 $0x1FF, v5  }
0x4a: {  	s20 =	sand.u32 $0xFF, s19;
	v12 =	vld [tilespmem:s15+$0x1830]  }
0x4b: {  	s20 =	smul.u32 $0xAB, s20;
	s8 =	sshrl.u32 s8, $0x9;
	[tilespmem:v8+s26+$0x0] =	vst.idx.add.f32.msk vm7, v1  }
0x4c: {  	s8 =	sand.u32 $0x18, s8;
	v1 =	vld [tilespmem:s3+$0xC70]  }
0x4d: {  	s16 =	sadd.s32 s8, s16;
	s8 =	sshrl.u32 s20, $0x9;
	s20 =	sadd.s32 s12, s4;
	vm6 =	vgt.s32 v11, $0xFFFFFFFF;
	[tilespmem:v6+s26+$0x0] =	vst.idx.add.f32.msk vm4, v9  }
0x4e: {  	s5 =	sadd.s32 s5, s4;
	s20 =	sor.u32 s1, s20;
	v5 =	vand.u32 $0x1FF, v11;
	[tilespmem:v7+s26+$0x0] =	vst.idx.add.f32.msk vm5, v10  }
0x4f: {  	s13 =	sshll.u32 s16, $0x7;
	s16 =	sor.u32 s1, s5;
	v10 =	vld [tilespmem:s20+$0xC10]  }
0x50: {  	v57 =	vld [tilespmem:s16+$0xC20]  }
0x51: {  	[tilespmem:v8+s28+$0x0] =	vst.idx.add.f32.msk vm7, v1  }
0x52: {  	v1 =	vld [tilespmem:s3+$0x1870]  }
0x53: {  	[tilespmem:v5+s26+$0x0] =	vst.idx.add.f32.msk vm6, v12  }
0x54: {  	[tilespmem:v6+s28+$0x0] =	vst.idx.add.f32.msk vm4, v10  }
0x55: {  	[tilespmem:v7+s28+$0x0] =	vst.idx.add.f32.msk vm5, v57  }
0x56: {  	v10 =	vld [tilespmem:s20+$0x1810]  }
0x57: {  	[tilespmem:v8+s25+$0x0] =	vst.idx.add.f32.msk vm7, v1  }
0x58: {  	v12 =	vld [tilespmem:s16+$0x1820]  }
0x59: {  	v1 =	vld [tilespmem:s3+$0x2470];
	_ =	sdelay $0x2  }
0x5a: {  	[tilespmem:v6+s25+$0x0] =	vst.idx.add.f32.msk vm4, v10  }
0x5b: {  	[tilespmem:v7+s25+$0x0] =	vst.idx.add.f32.msk vm5, v12  }
0x5c: {  	[tilespmem:v8+s10+$0x0] =	vst.idx.add.f32.msk vm7, v1  }
0x5d: {  	v10 =	vld [tilespmem:s16+$0x2420]  }
0x5e: {  	v1 =	vld [tilespmem:s3+$0x3070];
	_ =	sdelay $0x3  }
0x5f: {  	[tilespmem:v7+s10+$0x0] =	vst.idx.add.f32.msk vm5, v10  }
0x60: {  	[tilespmem:v8+s23+$0x0] =	vst.idx.add.f32.msk vm7, v1  }
0x61: {  	v10 =	vld [tilespmem:s16+$0x3020]  }
0x62: {  	v1 =	vld [tilespmem:s3+$0x3C70]  }
0x63: {  	s24 =	sor.u32 s1, s14  }
0x64: {  	v2 =	vld [tilespmem:s24+$0x0]  }
0x65: {  	v4 =	vld [tilespmem:s24+$0x1800]  }
0x66: {  	s18 =	sor.u32 $0x5, s11;
	[tilespmem:v7+s23+$0x0] =	vst.idx.add.f32.msk vm5, v10  }
0x67: {  	s24 =	sand.u32 $0xFF, s18;
	[tilespmem:v8+s29+$0x0] =	vst.idx.add.f32.msk vm7, v1  }
0x68: {  	s7 =	smul.u32 $0xAB, s24;
	v10 =	vld [tilespmem:s16+$0x3C20]  }
0x69: {  	v1 =	vld [tilespmem:s3+$0x4870]  }
0x6a: {  	s7 =	sshrl.u32 s7, $0x9  }
0x6b: {  	s7 =	sand.u32 $0x18, s7  }
0x6c: {  	s7 =	sadd.s32 s7, s18  }
0x6d: {  	s7 =	sshll.u32 s7, $0x7;
	[tilespmem:v7+s29+$0x0] =	vst.idx.add.f32.msk vm5, v10  }
0x6e: {  	s7 =	sand.u32 $0xC00, s7;
	s8 =	sand.u32 $0x18, s8;
	[tilespmem:v8+s30+$0x0] =	vst.idx.add.f32.msk vm7, v1  }
0x6f: {  	s8 =	sadd.s32 s8, s19;
	s19 =	sadd.s32 s9, s7;
	v10 =	vld [tilespmem:s16+$0x4820]  }
0x70: {  	s13 =	sand.u32 $0xC00, s13;
	s15 =	sor.u32 s1, s19;
	v1 =	vld [tilespmem:s3+$0x5470]  }
0x71: {  	s24 =	sadd.s32 s9, s13;
	v16 =	vld [tilespmem:s15+$0x50]  }
0x72: {  	s18 =	sor.u32 s1, s24;
	v18 =	vld [tilespmem:s15+$0x1850]  }
0x73: {  	v13 =	vld [tilespmem:s18+$0x40]  }
0x74: {  	[tilespmem:v7+s30+$0x0] =	vst.idx.add.f32.msk vm5, v10  }
0x75: {  	s8 =	sshll.u32 s8, $0x7;
	[tilespmem:v8+s31+$0x0] =	vst.idx.add.f32.msk vm7, v1  }
0x76: {  	s8 =	sand.u32 $0xC00, s8;
	v10 =	vld [tilespmem:s16+$0x5420]  }
0x77: {  	s9 =	sadd.s32 s9, s8;
	v1 =	vld [tilespmem:s3+$0x6070]  }
0x78: {  	s22 =	sadd.s32 s6, s4;
	v14 =	vld [tilespmem:s18+$0x1840];
	s9 =	sor.u32 s1, s9  }
0x79: {  	s12 =	sor.u32 s1, s22;
	v17 =	vld [tilespmem:s9+$0x60]  }
0x7a: {  	vm2 =	vgt.s32 v16, $0xFFFFFFFF;
	v58 =	vld [tilespmem:s12+$0xC30]  }
0x7b: {  	v3 =	vand.u32 $0x1FF, v16;
	[tilespmem:v7+s31+$0x0] =	vst.idx.add.f32.msk vm5, v10  }
0x7c: {  	[tilespmem:v8+s2+$0x0] =	vst.idx.add.f32.msk vm7, v1  }
0x7d: {  	v1 =	vld [tilespmem:s3+$0x6C70]  }
0x7e: {  	v10 =	vld [tilespmem:s16+$0x6020]  }
0x7f: {  	v19 =	vld [tilespmem:s9+$0x1860]  }
0x80: {  	[tilespmem:v3+s26+$0x0] =	vst.idx.add.f32.msk vm2, v18  }
0x81: {  	vm0 =	vgt.s32 v2, $0xFFFFFFFF;
	[tilespmem:v5+s28+$0x0] =	vst.idx.add.f32.msk vm6, v58  }
0x82: {  	vm1 =	vgt.s32 v13, $0xFFFFFFFF;
	[tilespmem:v8+s0+$0x0] =	vst.idx.add.f32.msk vm7, v1;
	v1 =	vand.u32 $0x1FF, v2  }
0x83: {  	[tilespmem:v7+s2+$0x0] =	vst.idx.add.f32.msk vm5, v10;
	v2 =	vand.u32 $0x1FF, v13  }
0x84: {  	v13 =	vld [tilespmem:s12+$0x1830]  }
0x85: {  	v10 =	vld [tilespmem:s16+$0x6C20]  }
0x86: {  	v15 =	vld [tilespmem:s3+$0x7870]  }
0x87: {  	[tilespmem:v1+s26+$0x0] =	vst.idx.add.f32.msk vm0, v4  }
0x88: {  	[tilespmem:v2+s26+$0x0] =	vst.idx.add.f32.msk vm1, v14  }
0x89: {  	vm3 =	vgt.s32 v17, $0xFFFFFFFF;
	[tilespmem:v5+s25+$0x0] =	vst.idx.add.f32.msk vm6, v13  }
0x8a: {  	s24 =	sadd.s32 s13, s4;
	s18 =	sadd.s32 s1, s14;
	v4 =	vand.u32 $0x1FF, v17;
	[tilespmem:v7+s0+$0x0] =	vst.idx.add.f32.msk vm5, v10  }
0x8b: {  	s15 =	sor.u32 s1, s24;
	v9 =	vld [tilespmem:s18+$0x2400]  }
0x8c: {  	v14 =	vld [tilespmem:s15+$0xC40]  }
0x8d: {  	[tilespmem:v8+s17+$0x0] =	vst.idx.add.f32.msk vm7, v15  }
0x8e: {  	v11 =	vld [tilespmem:s3+$0x8470]  }
0x8f: {  	[tilespmem:v4+s26+$0x0] =	vst.idx.add.f32.msk vm3, v19  }
0x90: {  	s26 =	sadd.s32 s7, s4;
	[tilespmem:v1+s28+$0x0] =	vst.idx.add.f32.msk vm0, v9  }
0x91: {  	s4 =	sadd.s32 s8, s4;
	s9 =	sor.u32 s1, s26;
	[tilespmem:v2+s28+$0x0] =	vst.idx.add.f32.msk vm1, v14  }
0x92: {  	s4 =	sor.u32 s1, s4;
	v59 =	vld [tilespmem:s9+$0xC50]  }
0x93: {  	v60 =	vld [tilespmem:s4+$0xC60]  }
0x94: {  	v9 =	vld [tilespmem:s18+$0x3000]  }
0x95: {  	v14 =	vld [tilespmem:s15+$0x1840]  }
0x96: {  	[tilespmem:v8+s21+$0x0] =	vst.idx.add.f32.msk vm7, v11  }
0x97: {  	v11 =	vld [tilespmem:s12+$0x2430]  }
0x98: {  	[tilespmem:v3+s28+$0x0] =	vst.idx.add.f32.msk vm2, v59  }
0x99: {  	[tilespmem:v4+s28+$0x0] =	vst.idx.add.f32.msk vm3, v60  }
0x9a: {  	[tilespmem:v1+s25+$0x0] =	vst.idx.add.f32.msk vm0, v9  }
0x9b: {  	[tilespmem:v2+s25+$0x0] =	vst.idx.add.f32.msk vm1, v14  }
0x9c: {  	v9 =	vld [tilespmem:s20+$0x2410]  }
0x9d: {  	[tilespmem:v5+s10+$0x0] =	vst.idx.add.f32.msk vm6, v11  }
0x9e: {  	v15 =	vld [tilespmem:s9+$0x1850]  }
0x9f: {  	v8 =	vld [tilespmem:s4+$0x1860]  }
0xa0: {  	v61 =	vld [tilespmem:s15+$0x2440]  }
0xa1: {  	v11 =	vld [tilespmem:s12+$0x3030]  }
0xa2: {  	[tilespmem:v6+s10+$0x0] =	vst.idx.add.f32.msk vm4, v9  }
0xa3: {  	[tilespmem:v3+s25+$0x0] =	vst.idx.add.f32.msk vm2, v15  }
0xa4: {  	[tilespmem:v4+s25+$0x0] =	vst.idx.add.f32.msk vm3, v8  }
0xa5: {  	v8 =	vld [tilespmem:s18+$0x3C00]  }
0xa6: {  	[tilespmem:v2+s10+$0x0] =	vst.idx.add.f32.msk vm1, v61  }
0xa7: {  	v9 =	vld [tilespmem:s20+$0x3010]  }
0xa8: {  	[tilespmem:v5+s23+$0x0] =	vst.idx.add.f32.msk vm6, v11  }
0xa9: {  	v62 =	vld [tilespmem:s9+$0x2450]  }
0xaa: {  	v63 =	vld [tilespmem:s4+$0x2460]  }
0xab: {  	v12 =	vld [tilespmem:s15+$0x3040]  }
0xac: {  	v11 =	vld [tilespmem:s12+$0x3C30]  }
0xad: {  	[tilespmem:v1+s10+$0x0] =	vst.idx.add.f32.msk vm0, v8  }
0xae: {  	[tilespmem:v6+s23+$0x0] =	vst.idx.add.f32.msk vm4, v9  }
0xaf: {  	[tilespmem:v3+s10+$0x0] =	vst.idx.add.f32.msk vm2, v62  }
0xb0: {  	[tilespmem:v4+s10+$0x0] =	vst.idx.add.f32.msk vm3, v63  }
0xb1: {  	v8 =	vld [tilespmem:s18+$0x4800]  }
0xb2: {  	[tilespmem:v2+s23+$0x0] =	vst.idx.add.f32.msk vm1, v12  }
0xb3: {  	v9 =	vld [tilespmem:s20+$0x3C10]  }
0xb4: {  	[tilespmem:v5+s29+$0x0] =	vst.idx.add.f32.msk vm6, v11  }
0xb5: {  	v13 =	vld [tilespmem:s9+$0x3050]  }
0xb6: {  	v14 =	vld [tilespmem:s4+$0x3060]  }
0xb7: {  	v12 =	vld [tilespmem:s15+$0x3C40]  }
0xb8: {  	v11 =	vld [tilespmem:s12+$0x4830]  }
0xb9: {  	[tilespmem:v1+s23+$0x0] =	vst.idx.add.f32.msk vm0, v8  }
0xba: {  	[tilespmem:v6+s29+$0x0] =	vst.idx.add.f32.msk vm4, v9  }
0xbb: {  	[tilespmem:v3+s23+$0x0] =	vst.idx.add.f32.msk vm2, v13  }
0xbc: {  	[tilespmem:v4+s23+$0x0] =	vst.idx.add.f32.msk vm3, v14  }
0xbd: {  	v8 =	vld [tilespmem:s18+$0x5400]  }
0xbe: {  	[tilespmem:v2+s29+$0x0] =	vst.idx.add.f32.msk vm1, v12  }
0xbf: {  	v9 =	vld [tilespmem:s20+$0x4810]  }
0xc0: {  	[tilespmem:v5+s30+$0x0] =	vst.idx.add.f32.msk vm6, v11  }
0xc1: {  	v13 =	vld [tilespmem:s9+$0x3C50]  }
0xc2: {  	v14 =	vld [tilespmem:s4+$0x3C60]  }
0xc3: {  	v12 =	vld [tilespmem:s15+$0x4840]  }
0xc4: {  	v11 =	vld [tilespmem:s12+$0x5430]  }
0xc5: {  	[tilespmem:v1+s29+$0x0] =	vst.idx.add.f32.msk vm0, v8  }
0xc6: {  	[tilespmem:v6+s30+$0x0] =	vst.idx.add.f32.msk vm4, v9  }
0xc7: {  	[tilespmem:v3+s29+$0x0] =	vst.idx.add.f32.msk vm2, v13  }
0xc8: {  	[tilespmem:v4+s29+$0x0] =	vst.idx.add.f32.msk vm3, v14  }
0xc9: {  	v8 =	vld [tilespmem:s18+$0x6000]  }
0xca: {  	[tilespmem:v2+s30+$0x0] =	vst.idx.add.f32.msk vm1, v12  }
0xcb: {  	v9 =	vld [tilespmem:s20+$0x5410]  }
0xcc: {  	[tilespmem:v5+s31+$0x0] =	vst.idx.add.f32.msk vm6, v11  }
0xcd: {  	v13 =	vld [tilespmem:s9+$0x4850]  }
0xce: {  	v14 =	vld [tilespmem:s4+$0x4860]  }
0xcf: {  	v12 =	vld [tilespmem:s15+$0x5440]  }
0xd0: {  	v11 =	vld [tilespmem:s12+$0x6030]  }
0xd1: {  	[tilespmem:v1+s30+$0x0] =	vst.idx.add.f32.msk vm0, v8  }
0xd2: {  	[tilespmem:v6+s31+$0x0] =	vst.idx.add.f32.msk vm4, v9  }
0xd3: {  	[tilespmem:v3+s30+$0x0] =	vst.idx.add.f32.msk vm2, v13  }
0xd4: {  	[tilespmem:v4+s30+$0x0] =	vst.idx.add.f32.msk vm3, v14  }
0xd5: {  	v8 =	vld [tilespmem:s18+$0x6C00]  }
0xd6: {  	[tilespmem:v2+s31+$0x0] =	vst.idx.add.f32.msk vm1, v12  }
0xd7: {  	v9 =	vld [tilespmem:s20+$0x6010]  }
0xd8: {  	[tilespmem:v5+s2+$0x0] =	vst.idx.add.f32.msk vm6, v11  }
0xd9: {  	v13 =	vld [tilespmem:s9+$0x5450]  }
0xda: {  	v14 =	vld [tilespmem:s4+$0x5460]  }
0xdb: {  	v12 =	vld [tilespmem:s15+$0x6040]  }
0xdc: {  	v11 =	vld [tilespmem:s12+$0x6C30]  }
0xdd: {  	[tilespmem:v1+s31+$0x0] =	vst.idx.add.f32.msk vm0, v8  }
0xde: {  	[tilespmem:v6+s2+$0x0] =	vst.idx.add.f32.msk vm4, v9  }
0xdf: {  	[tilespmem:v3+s31+$0x0] =	vst.idx.add.f32.msk vm2, v13  }
0xe0: {  	[tilespmem:v4+s31+$0x0] =	vst.idx.add.f32.msk vm3, v14  }
0xe1: {  	v8 =	vld [tilespmem:s18+$0x7800]  }
0xe2: {  	[tilespmem:v2+s2+$0x0] =	vst.idx.add.f32.msk vm1, v12  }
0xe3: {  	v9 =	vld [tilespmem:s20+$0x6C10]  }
0xe4: {  	[tilespmem:v5+s0+$0x0] =	vst.idx.add.f32.msk vm6, v11  }
0xe5: {  	v13 =	vld [tilespmem:s9+$0x6050]  }
0xe6: {  	v14 =	vld [tilespmem:s4+$0x6060]  }
0xe7: {  	v12 =	vld [tilespmem:s15+$0x6C40]  }
0xe8: {  	[tilespmem:v1+s2+$0x0] =	vst.idx.add.f32.msk vm0, v8  }
0xe9: {  	[tilespmem:v6+s0+$0x0] =	vst.idx.add.f32.msk vm4, v9  }
0xea: {  	v9 =	vld [tilespmem:s16+$0x7820]  }
0xeb: {  	[tilespmem:v3+s2+$0x0] =	vst.idx.add.f32.msk vm2, v13  }
0xec: {  	[tilespmem:v4+s2+$0x0] =	vst.idx.add.f32.msk vm3, v14  }
0xed: {  	v8 =	vld [tilespmem:s18+$0x8400]  }
0xee: {  	[tilespmem:v2+s0+$0x0] =	vst.idx.add.f32.msk vm1, v12  }
0xef: {  	v13 =	vld [tilespmem:s9+$0x6C50]  }
0xf0: {  	v14 =	vld [tilespmem:s4+$0x6C60]  }
0xf1: {  	v10 =	vld [tilespmem:s20+$0x7810]  }
0xf2: {  	[tilespmem:v1+s0+$0x0] =	vst.idx.add.f32.msk vm0, v8  }
0xf3: {  	v8 =	vld [tilespmem:s12+$0x7830]  }
0xf4: {  	[tilespmem:v3+s0+$0x0] =	vst.idx.add.f32.msk vm2, v13  }
0xf5: {  	[tilespmem:v4+s0+$0x0] =	vst.idx.add.f32.msk vm3, v14  }
0xf6: {  	v11 =	vld [tilespmem:s18+$0x9000]  }
.LBB2_5:
0xf7: {  	s11 =	sadd.s32 $0x8, s11  }
0xf8: {  	s13 =	sor.u32 $0x1, s11;
	s1 =	sor.u32 $0x2, s11  }
0xf9: {  	v12 =	vld [tilespmem:s15+$0x7840];
	s3 =	sor.u32 $0x7, s11;
	s14 =	smul.u32 $0xAB, s11;
	s5 =	sor.u32 $0x3, s11  }
0xfa: {  	v13 =	vld [tilespmem:s9+$0x7850];
	s6 =	sor.u32 $0x4, s11;
	s7 =	sor.u32 $0x5, s11;
	s8 =	sand.u32 $0xFF, s3  }
0xfb: {  	v14 =	vld [tilespmem:s4+$0x7860];
	s22 =	sand.u32 $0xFF, s13;
	s10 =	sand.u32 $0xFF, s1;
	s24 =	sand.u32 $0xFF, s5  }
0xfc: {  	s25 =	sand.u32 $0xFF, s6;
	s28 =	sand.u32 $0xFF, s7;
	s19 =	smul.u32 $0xAB, s8;
	[tilespmem:v1+s17+$0x0] =	vst.idx.add.f32.msk vm0, v11  }
0xfd: {  	s8 =	sor.u32 $0x6, s11;
	s23 =	sshrl.u32 s14, $0xC;
	s30 =	smul.u32 $0xAB, s22;
	[tilespmem:v6+s17+$0x0] =	vst.idx.add.f32.msk vm4, v10  }
0xfe: {  	s29 =	sshrl.u32 s14, $0x5;
	s10 =	smul.u32 $0xAB, s10;
	s19 =	sshrl.u32 s19, $0x9;
	[tilespmem:v7+s17+$0x0] =	vst.idx.add.f32.msk vm5, v9  }
0xff: {  	s24 =	smul.u32 $0xAB, s24;
	s23 =	sand.u32 $0xF, s23;
	s19 =	sand.u32 $0x18, s19;
	[tilespmem:v5+s17+$0x0] =	vst.idx.add.f32.msk vm6, v8  }
0x100: {  	s22 =	sand.u32 $0x380, s29;
	s26 =	sshrl.u32 s23, $0x3;
	s19 =	sadd.s32 s19, s3;
	[tilespmem:v2+s17+$0x0] =	vst.idx.add.f32.msk vm1, v12  }
0x101: {  	s3 =	smul.u32 $0xC00, s26;
	s26 =	sand.u32 $0xFF, s8;
	s19 =	sshll.u32 s19, $0x7;
	[tilespmem:v3+s17+$0x0] =	vst.idx.add.f32.msk vm2, v13  }
0x102: {  	s29 =	simm.s32 $0x13FA8;
	s10 =	sshrl.u32 s10, $0x9;
	s14 =	sand.u32 $0xC00, s19;
	[tilespmem:v4+s17+$0x0] =	vst.idx.add.f32.msk vm3, v14  }
0x103: {  	s24 =	sshrl.u32 s24, $0x9;
	s10 =	sand.u32 $0x18, s10;
	s19 =	sadd.s32 s3, s14;
	v9 =	vld [tilespmem:s18+$0x9C00]  }
0x104: {  	s18 =	sshrl.u32 s30, $0x9;
	s30 =	simm.s32 $0x14130;
	s19 =	sor.u32 s22, s19;
	v10 =	vld [tilespmem:s20+$0x8410]  }
0x105: {  	s1 =	sadd.s32 s10, s1;
	s18 =	sand.u32 $0x18, s18;
	s20 =	smul.u32 $0xAB, s25;
	v8 =	vld [tilespmem:s19+$0x70]  }
0x106: {  	s25 =	smul.u32 $0xAB, s28;
	s28 =	simm.s32 $0x13988;
	v11 =	vld [tilespmem:s16+$0x8420];
	s16 =	sand.u32 $0x18, s24  }
0x107: {  	s20 =	sshrl.u32 s20, $0x9;
	s24 =	smul.u32 $0xAB, s26;
	s26 =	simm.s32 $0x13800;
	v12 =	vld [tilespmem:s12+$0x8430]  }
0x108: {  	s12 =	smul.u32 $0x18, s23;
	s20 =	sand.u32 $0x18, s20;
	s23 =	sshrl.u32 s25, $0x9;
	v13 =	vld [tilespmem:s15+$0x8440]  }
0x109: {  	s13 =	sadd.s32 s18, s13;
	s15 =	sand.u32 $0x18, s23;
	s18 =	sshrl.u32 s24, $0x9;
	v14 =	vld [tilespmem:s9+$0x8450]  }
0x10a: {  	s1 =	sshll.u32 s1, $0x7;
	s9 =	ssub.s32 s11, s12;
	s10 =	sand.u32 $0x18, s18;
	vm7 =	vgt.s32 v8, $0xFFFFFFFF;
	v15 =	vld [tilespmem:s4+$0x8460]  }
0x10b: {  	s4 =	sadd.s32 s16, s5;
	s5 =	sadd.s32 s20, s6;
	s6 =	sadd.s32 s15, s7;
	v8 =	vand.u32 $0x1FF, v8;
	v16 =	vld [tilespmem:s19+$0x1870]  }
0x10c: {  	s7 =	sand.u32 $0xFF, s9;
	s9 =	sshll.u32 s13, $0x7;
	s8 =	sadd.s32 s10, s8;
	[tilespmem:v1+s21+$0x0] =	vst.idx.add.f32.msk vm0, v9  }
0x10d: {  	s10 =	sadd.s32 $0x1800, s3;
	s4 =	sshll.u32 s4, $0x7;
	s5 =	sshll.u32 s5, $0x7;
	[tilespmem:v6+s21+$0x0] =	vst.idx.add.f32.msk vm4, v10  }
0x10e: {  	s13 =	sand.u32 $0xC00, s1;
	s6 =	sshll.u32 s6, $0x7;
	s8 =	sshll.u32 s8, $0x7;
	[tilespmem:v7+s21+$0x0] =	vst.idx.add.f32.msk vm5, v11  }
0x10f: {  	s7 =	sshll.u32 s7, $0x7;
	s9 =	sand.u32 $0xC00, s9;
	s12 =	sadd.s32 s14, s10;
	[tilespmem:v5+s21+$0x0] =	vst.idx.add.f32.msk vm6, v12  }
0x110: {  	s4 =	sand.u32 $0xC00, s4;
	s1 =	sor.u32 s22, s12;
	s12 =	sand.u32 $0xC00, s5;
	[tilespmem:v8+s26+$0x0] =	vst.idx.add.f32.msk vm7, v16  }
0x111: {  	s14 =	sand.u32 $0xC00, s6;
	s8 =	sand.u32 $0xC00, s8;
	s15 =	sadd.s32 s7, s3;
	v1 =	vld [tilespmem:s1+$0xC70]  }
0x112: {  	s5 =	sadd.s32 s3, s9;
	s6 =	sadd.s32 s3, s13;
	s9 =	sadd.s32 s9, s10;
	[tilespmem:v2+s21+$0x0] =	vst.idx.add.f32.msk vm1, v13  }
0x113: {  	s7 =	sadd.s32 s3, s4;
	s16 =	sadd.s32 s3, s12;
	s18 =	sadd.s32 s3, s14;
	[tilespmem:v3+s21+$0x0] =	vst.idx.add.f32.msk vm2, v14  }
0x114: {  	s19 =	sor.u32 s22, s15;
	s23 =	sor.u32 s22, s5;
	s3 =	sadd.s32 s3, s8;
	[tilespmem:v4+s21+$0x0] =	vst.idx.add.f32.msk vm3, v15  }
0x115: {  	s24 =	sor.u32 s22, s6;
	s6 =	sor.u32 s22, s7;
	s5 =	sor.u32 s22, s16;
	v2 =	vld [tilespmem:s19+$0x0]  }
0x116: {  	s13 =	sadd.s32 s13, s10;
	s7 =	sor.u32 s22, s18;
	s3 =	sor.u32 s22, s3;
	[tilespmem:v8+s28+$0x0] =	vst.idx.add.f32.msk vm7, v1  }
0x117: {  	s4 =	sadd.s32 s4, s10;
	s25 =	sadd.s32 s12, s10;
	s14 =	sadd.s32 s14, s10;
	v3 =	vld [tilespmem:s1+$0x1870]  }
0x118: {  	s8 =	sadd.s32 s8, s10;
	s20 =	sor.u32 s22, s9;
	s18 =	sadd.s32 s22, s15;
	v4 =	vld [tilespmem:s23+$0x10]  }
0x119: {  	s16 =	sor.u32 s22, s13;
	s12 =	sor.u32 s22, s4;
	s15 =	sor.u32 s22, s25;
	v5 =	vld [tilespmem:s24+$0x20]  }
0x11a: {  	s25 =	simm.s32 $0x13B10;
	s9 =	sor.u32 s22, s14;
	s4 =	sor.u32 s22, s8;
	vm0 =	vgt.s32 v2, $0xFFFFFFFF;
	v1 =	vand.u32 $0x1FF, v2;
	v2 =	vld [tilespmem:s6+$0x30]  }
0x11b: {  	p0 =	slt.u32 s11, $0xB8;
	v9 =	vld [tilespmem:s5+$0x40]  }
0x11c: {  	[tilespmem:v8+s25+$0x0] =	vst.idx.add.f32.msk vm7, v3  }
0x11d: {  	vm4 =	vgt.s32 v4, $0xFFFFFFFF;
	v6 =	vand.u32 $0x1FF, v4;
	v3 =	vld [tilespmem:s1+$0x2470]  }
0x11e: {  	vm5 =	vgt.s32 v5, $0xFFFFFFFF;
	v7 =	vand.u32 $0x1FF, v5;
	v4 =	vld [tilespmem:s7+$0x50]  }
0x11f: {  	vm6 =	vgt.s32 v2, $0xFFFFFFFF;
	v5 =	vand.u32 $0x1FF, v2;
	v10 =	vld [tilespmem:s3+$0x60]  }
0x120: {  	v11 =	vld [tilespmem:s19+$0x1800];
	vm1 =	vgt.s32 v9, $0xFFFFFFFF;
	v2 =	vand.u32 $0x1FF, v9  }
0x121: {  	v9 =	vld [tilespmem:s23+$0x1810];
	s23 =	simm.s32 $0x13C98  }
0x122: {  	[tilespmem:v8+s23+$0x0] =	vst.idx.add.f32.msk vm7, v3  }
0x123: {  	vm2 =	vgt.s32 v4, $0xFFFFFFFF;
	v3 =	vand.u32 $0x1FF, v4;
	v12 =	vld [tilespmem:s1+$0x3070]  }
0x124: {  	v13 =	vld [tilespmem:s24+$0x1820];
	s24 =	simm.s32 $0x13E20;
	vm3 =	vgt.s32 v10, $0xFFFFFFFF;
	v4 =	vand.u32 $0x1FF, v10  }
0x125: {  	v10 =	vld [tilespmem:s6+$0x1830]  }
0x126: {  	v14 =	vld [tilespmem:s5+$0x1840]  }
0x127: {  	v15 =	vld [tilespmem:s7+$0x1850]  }
0x128: {  	[tilespmem:v8+s24+$0x0] =	vst.idx.add.f32.msk vm7, v12  }
0x129: {  	v12 =	vld [tilespmem:s1+$0x3C70]  }
0x12a: {  	v16 =	vld [tilespmem:s3+$0x1860]  }
0x12b: {  	[tilespmem:v1+s26+$0x0] =	vst.idx.add.f32.msk vm0, v11  }
0x12c: {  	[tilespmem:v6+s26+$0x0] =	vst.idx.add.f32.msk vm4, v9  }
0x12d: {  	[tilespmem:v7+s26+$0x0] =	vst.idx.add.f32.msk vm5, v13  }
0x12e: {  	[tilespmem:v8+s29+$0x0] =	vst.idx.add.f32.msk vm7, v12  }
0x12f: {  	v9 =	vld [tilespmem:s1+$0x4870]  }
0x130: {  	[tilespmem:v5+s26+$0x0] =	vst.idx.add.f32.msk vm6, v10  }
0x131: {  	[tilespmem:v2+s26+$0x0] =	vst.idx.add.f32.msk vm1, v14  }
0x132: {  	[tilespmem:v3+s26+$0x0] =	vst.idx.add.f32.msk vm2, v15  }
0x133: {  	[tilespmem:v4+s26+$0x0] =	vst.idx.add.f32.msk vm3, v16  }
0x134: {  	[tilespmem:v8+s30+$0x0] =	vst.idx.add.f32.msk vm7, v9  }
0x135: {  	v9 =	vld [tilespmem:s1+$0x5470]  }
0x136: {  	v10 =	vld [tilespmem:s18+$0x2400]  }
0x137: {  	v11 =	vld [tilespmem:s20+$0xC10]  }
0x138: {  	v12 =	vld [tilespmem:s16+$0xC20]  }
0x139: {  	v13 =	vld [tilespmem:s12+$0xC30]  }
0x13a: {  	[tilespmem:v8+s31+$0x0] =	vst.idx.add.f32.msk vm7, v9  }
0x13b: {  	v9 =	vld [tilespmem:s1+$0x6070]  }
0x13c: {  	v14 =	vld [tilespmem:s15+$0xC40]  }
0x13d: {  	v15 =	vld [tilespmem:s9+$0xC50]  }
0x13e: {  	v16 =	vld [tilespmem:s4+$0xC60]  }
0x13f: {  	[tilespmem:v1+s28+$0x0] =	vst.idx.add.f32.msk vm0, v10  }
0x140: {  	[tilespmem:v8+s2+$0x0] =	vst.idx.add.f32.msk vm7, v9  }
0x141: {  	v9 =	vld [tilespmem:s1+$0x6C70]  }
0x142: {  	[tilespmem:v6+s28+$0x0] =	vst.idx.add.f32.msk vm4, v11  }
0x143: {  	[tilespmem:v7+s28+$0x0] =	vst.idx.add.f32.msk vm5, v12  }
0x144: {  	[tilespmem:v5+s28+$0x0] =	vst.idx.add.f32.msk vm6, v13  }
0x145: {  	[tilespmem:v2+s28+$0x0] =	vst.idx.add.f32.msk vm1, v14  }
0x146: {  	[tilespmem:v8+s0+$0x0] =	vst.idx.add.f32.msk vm7, v9  }
0x147: {  	v9 =	vld [tilespmem:s1+$0x7870]  }
0x148: {  	[tilespmem:v3+s28+$0x0] =	vst.idx.add.f32.msk vm2, v15  }
0x149: {  	[tilespmem:v4+s28+$0x0] =	vst.idx.add.f32.msk vm3, v16  }
0x14a: {  	v10 =	vld [tilespmem:s18+$0x3000]  }
0x14b: {  	v11 =	vld [tilespmem:s20+$0x1810]  }
0x14c: {  	[tilespmem:v8+s17+$0x0] =	vst.idx.add.f32.msk vm7, v9  }
0x14d: {  	v9 =	vld [tilespmem:s1+$0x8470]  }
0x14e: {  	v12 =	vld [tilespmem:s16+$0x1820]  }
0x14f: {  	v13 =	vld [tilespmem:s12+$0x1830]  }
0x150: {  	v14 =	vld [tilespmem:s15+$0x1840]  }
0x151: {  	v15 =	vld [tilespmem:s9+$0x1850]  }
0x152: {  	[tilespmem:v8+s21+$0x0] =	vst.idx.add.f32.msk vm7, v9  }
0x153: {  	v8 =	vld [tilespmem:s4+$0x1860]  }
0x154: {  	[tilespmem:v1+s25+$0x0] =	vst.idx.add.f32.msk vm0, v10  }
0x155: {  	[tilespmem:v6+s25+$0x0] =	vst.idx.add.f32.msk vm4, v11  }
0x156: {  	[tilespmem:v7+s25+$0x0] =	vst.idx.add.f32.msk vm5, v12  }
0x157: {  	[tilespmem:v5+s25+$0x0] =	vst.idx.add.f32.msk vm6, v13  }
0x158: {  	[tilespmem:v2+s25+$0x0] =	vst.idx.add.f32.msk vm1, v14  }
0x159: {  	[tilespmem:v3+s25+$0x0] =	vst.idx.add.f32.msk vm2, v15  }
0x15a: {  	[tilespmem:v4+s25+$0x0] =	vst.idx.add.f32.msk vm3, v8  }
0x15b: {  	v8 =	vld [tilespmem:s18+$0x3C00]  }
0x15c: {  	v9 =	vld [tilespmem:s20+$0x2410]  }
0x15d: {  	v10 =	vld [tilespmem:s16+$0x2420]  }
0x15e: {  	v11 =	vld [tilespmem:s12+$0x2430]  }
0x15f: {  	v12 =	vld [tilespmem:s15+$0x2440]  }
0x160: {  	v13 =	vld [tilespmem:s9+$0x2450]  }
0x161: {  	v14 =	vld [tilespmem:s4+$0x2460]  }
0x162: {  	[tilespmem:v1+s23+$0x0] =	vst.idx.add.f32.msk vm0, v8  }
0x163: {  	[tilespmem:v6+s23+$0x0] =	vst.idx.add.f32.msk vm4, v9  }
0x164: {  	[tilespmem:v7+s23+$0x0] =	vst.idx.add.f32.msk vm5, v10  }
0x165: {  	[tilespmem:v5+s23+$0x0] =	vst.idx.add.f32.msk vm6, v11  }
0x166: {  	[tilespmem:v2+s23+$0x0] =	vst.idx.add.f32.msk vm1, v12  }
0x167: {  	[tilespmem:v3+s23+$0x0] =	vst.idx.add.f32.msk vm2, v13  }
0x168: {  	[tilespmem:v4+s23+$0x0] =	vst.idx.add.f32.msk vm3, v14  }
0x169: {  	v8 =	vld [tilespmem:s18+$0x4800]  }
0x16a: {  	v9 =	vld [tilespmem:s20+$0x3010]  }
0x16b: {  	v10 =	vld [tilespmem:s16+$0x3020]  }
0x16c: {  	v11 =	vld [tilespmem:s12+$0x3030]  }
0x16d: {  	v12 =	vld [tilespmem:s15+$0x3040]  }
0x16e: {  	v13 =	vld [tilespmem:s9+$0x3050]  }
0x16f: {  	v14 =	vld [tilespmem:s4+$0x3060]  }
0x170: {  	[tilespmem:v1+s24+$0x0] =	vst.idx.add.f32.msk vm0, v8  }
0x171: {  	[tilespmem:v6+s24+$0x0] =	vst.idx.add.f32.msk vm4, v9  }
0x172: {  	[tilespmem:v7+s24+$0x0] =	vst.idx.add.f32.msk vm5, v10  }
0x173: {  	[tilespmem:v5+s24+$0x0] =	vst.idx.add.f32.msk vm6, v11  }
0x174: {  	[tilespmem:v2+s24+$0x0] =	vst.idx.add.f32.msk vm1, v12  }
0x175: {  	[tilespmem:v3+s24+$0x0] =	vst.idx.add.f32.msk vm2, v13  }
0x176: {  	[tilespmem:v4+s24+$0x0] =	vst.idx.add.f32.msk vm3, v14  }
0x177: {  	v8 =	vld [tilespmem:s18+$0x5400]  }
0x178: {  	v9 =	vld [tilespmem:s20+$0x3C10]  }
0x179: {  	v10 =	vld [tilespmem:s16+$0x3C20]  }
0x17a: {  	v11 =	vld [tilespmem:s12+$0x3C30]  }
0x17b: {  	v12 =	vld [tilespmem:s15+$0x3C40]  }
0x17c: {  	v13 =	vld [tilespmem:s9+$0x3C50]  }
0x17d: {  	v14 =	vld [tilespmem:s4+$0x3C60]  }
0x17e: {  	[tilespmem:v1+s29+$0x0] =	vst.idx.add.f32.msk vm0, v8  }
0x17f: {  	[tilespmem:v6+s29+$0x0] =	vst.idx.add.f32.msk vm4, v9  }
0x180: {  	[tilespmem:v7+s29+$0x0] =	vst.idx.add.f32.msk vm5, v10  }
0x181: {  	[tilespmem:v5+s29+$0x0] =	vst.idx.add.f32.msk vm6, v11  }
0x182: {  	[tilespmem:v2+s29+$0x0] =	vst.idx.add.f32.msk vm1, v12  }
0x183: {  	[tilespmem:v3+s29+$0x0] =	vst.idx.add.f32.msk vm2, v13  }
0x184: {  	[tilespmem:v4+s29+$0x0] =	vst.idx.add.f32.msk vm3, v14  }
0x185: {  	v8 =	vld [tilespmem:s18+$0x6000]  }
0x186: {  	v9 =	vld [tilespmem:s20+$0x4810]  }
0x187: {  	v10 =	vld [tilespmem:s16+$0x4820]  }
0x188: {  	v11 =	vld [tilespmem:s12+$0x4830]  }
0x189: {  	v12 =	vld [tilespmem:s15+$0x4840]  }
0x18a: {  	v13 =	vld [tilespmem:s9+$0x4850]  }
0x18b: {  	v14 =	vld [tilespmem:s4+$0x4860]  }
0x18c: {  	[tilespmem:v1+s30+$0x0] =	vst.idx.add.f32.msk vm0, v8  }
0x18d: {  	[tilespmem:v6+s30+$0x0] =	vst.idx.add.f32.msk vm4, v9  }
0x18e: {  	[tilespmem:v7+s30+$0x0] =	vst.idx.add.f32.msk vm5, v10  }
0x18f: {  	[tilespmem:v5+s30+$0x0] =	vst.idx.add.f32.msk vm6, v11  }
0x190: {  	[tilespmem:v2+s30+$0x0] =	vst.idx.add.f32.msk vm1, v12  }
0x191: {  	[tilespmem:v3+s30+$0x0] =	vst.idx.add.f32.msk vm2, v13  }
0x192: {  	[tilespmem:v4+s30+$0x0] =	vst.idx.add.f32.msk vm3, v14  }
0x193: {  	v8 =	vld [tilespmem:s18+$0x6C00]  }
0x194: {  	v9 =	vld [tilespmem:s20+$0x5410]  }
0x195: {  	v10 =	vld [tilespmem:s16+$0x5420]  }
0x196: {  	v11 =	vld [tilespmem:s12+$0x5430]  }
0x197: {  	v12 =	vld [tilespmem:s15+$0x5440]  }
0x198: {  	v13 =	vld [tilespmem:s9+$0x5450]  }
0x199: {  	v14 =	vld [tilespmem:s4+$0x5460]  }
0x19a: {  	[tilespmem:v1+s31+$0x0] =	vst.idx.add.f32.msk vm0, v8  }
0x19b: {  	[tilespmem:v6+s31+$0x0] =	vst.idx.add.f32.msk vm4, v9  }
0x19c: {  	[tilespmem:v7+s31+$0x0] =	vst.idx.add.f32.msk vm5, v10  }
0x19d: {  	[tilespmem:v5+s31+$0x0] =	vst.idx.add.f32.msk vm6, v11  }
0x19e: {  	[tilespmem:v2+s31+$0x0] =	vst.idx.add.f32.msk vm1, v12  }
0x19f: {  	[tilespmem:v3+s31+$0x0] =	vst.idx.add.f32.msk vm2, v13  }
0x1a0: {  	[tilespmem:v4+s31+$0x0] =	vst.idx.add.f32.msk vm3, v14  }
0x1a1: {  	v8 =	vld [tilespmem:s18+$0x7800]  }
0x1a2: {  	v9 =	vld [tilespmem:s20+$0x6010]  }
0x1a3: {  	v10 =	vld [tilespmem:s16+$0x6020]  }
0x1a4: {  	v11 =	vld [tilespmem:s12+$0x6030]  }
0x1a5: {  	v12 =	vld [tilespmem:s15+$0x6040]  }
0x1a6: {  	v13 =	vld [tilespmem:s9+$0x6050]  }
0x1a7: {  	v14 =	vld [tilespmem:s4+$0x6060]  }
0x1a8: {  	[tilespmem:v1+s2+$0x0] =	vst.idx.add.f32.msk vm0, v8  }
0x1a9: {  	[tilespmem:v6+s2+$0x0] =	vst.idx.add.f32.msk vm4, v9  }
0x1aa: {  	[tilespmem:v7+s2+$0x0] =	vst.idx.add.f32.msk vm5, v10  }
0x1ab: {  	[tilespmem:v5+s2+$0x0] =	vst.idx.add.f32.msk vm6, v11  }
0x1ac: {  	[tilespmem:v2+s2+$0x0] =	vst.idx.add.f32.msk vm1, v12  }
0x1ad: {  	[tilespmem:v3+s2+$0x0] =	vst.idx.add.f32.msk vm2, v13  }
0x1ae: {  	[tilespmem:v4+s2+$0x0] =	vst.idx.add.f32.msk vm3, v14  }
0x1af: {  	v8 =	vld [tilespmem:s18+$0x8400]  }
0x1b0: {  	v9 =	vld [tilespmem:s20+$0x6C10]  }
0x1b1: {  	v10 =	vld [tilespmem:s16+$0x6C20]  }
0x1b2: {  	v11 =	vld [tilespmem:s12+$0x6C30]  }
0x1b3: {  	v12 =	vld [tilespmem:s15+$0x6C40]  }
0x1b4: {  	v13 =	vld [tilespmem:s9+$0x6C50]  }
0x1b5: {  	v14 =	vld [tilespmem:s4+$0x6C60]  }
0x1b6: {  	[tilespmem:v1+s0+$0x0] =	vst.idx.add.f32.msk vm0, v8  }
0x1b7: {  	[tilespmem:v6+s0+$0x0] =	vst.idx.add.f32.msk vm4, v9  }
0x1b8: {  	[tilespmem:v7+s0+$0x0] =	vst.idx.add.f32.msk vm5, v10  }
0x1b9: {  	[tilespmem:v5+s0+$0x0] =	vst.idx.add.f32.msk vm6, v11  }
0x1ba: {  	[tilespmem:v2+s0+$0x0] =	vst.idx.add.f32.msk vm1, v12  }
0x1bb: {  	[tilespmem:v3+s0+$0x0] =	vst.idx.add.f32.msk vm2, v13  }
.Ltmp1:
0x1bc: {  	[tilespmem:v4+s0+$0x0] =	vst.idx.add.f32.msk vm3, v14;
	(pc) =	sbr.rel @p0 .LBB2_5-.Ltmp1, $4  }
0x1bd: {  	v11 =	vld [tilespmem:s18+$0x9000]  }
0x1be: {  	v10 =	vld [tilespmem:s20+$0x7810]  }
0x1bf: {  	v9 =	vld [tilespmem:s16+$0x7820]  }
0x1c0: {  	v8 =	vld [tilespmem:s12+$0x7830]  }
0x1c1: {  	_ =	sdelay $0x1  }
0x1c2: {  	v12 =	vld [tilespmem:s15+$0x7840]  }
0x1c3: {  	v13 =	vld [tilespmem:s9+$0x7850]  }
0x1c4: {  	v14 =	vld [tilespmem:s4+$0x7860]  }
0x1c5: {  	[tilespmem:v1+s17+$0x0] =	vst.idx.add.f32.msk vm0, v11  }
0x1c6: {  	[tilespmem:v6+s17+$0x0] =	vst.idx.add.f32.msk vm4, v10  }
0x1c7: {  	[tilespmem:v7+s17+$0x0] =	vst.idx.add.f32.msk vm5, v9  }
0x1c8: {  	v9 =	vld [tilespmem:s20+$0x8410]  }
0x1c9: {  	[tilespmem:v5+s17+$0x0] =	vst.idx.add.f32.msk vm6, v8  }
0x1ca: {  	v8 =	vld [tilespmem:s18+$0x9C00]  }
0x1cb: {  	[tilespmem:v2+s17+$0x0] =	vst.idx.add.f32.msk vm1, v12  }
0x1cc: {  	[tilespmem:v3+s17+$0x0] =	vst.idx.add.f32.msk vm2, v13  }
0x1cd: {  	[tilespmem:v4+s17+$0x0] =	vst.idx.add.f32.msk vm3, v14  }
0x1ce: {  	v10 =	vld [tilespmem:s16+$0x8420];
	s1 =	rddreg [dreg:$0x11]  }
0x1cf: {  	v11 =	vld [tilespmem:s12+$0x8430];
	s11 =	sshll.u32 s1, $0x1;
	p0 =	seq.s32 s1, $0x17;
	s1 =	rddreg [dreg:$0xc]  }
0x1d0: {  	v12 =	vld [tilespmem:s15+$0x8440];
	s1 =	sadd.s32 @!p0 s11, s1  }
0x1d1: {  	v13 =	vld [tilespmem:s9+$0x8450];
	s3 =	smulhi.u32 @!p0 $0x2AAAAAAB, s1  }
0x1d2: {  	v14 =	vld [tilespmem:s4+$0x8460]  }
0x1d3: {  	[tilespmem:v6+s21+$0x0] =	vst.idx.add.f32.msk vm4, v9;
	s3 =	sshrl.u32 @!p0 s3, $0x3  }
0x1d4: {  	[tilespmem:v1+s21+$0x0] =	vst.idx.add.f32.msk vm0, v8;
	s3 =	smul.u32 @!p0 $0x30, s3  }
0x1d5: {  	[tilespmem:v7+s21+$0x0] =	vst.idx.add.f32.msk vm5, v10  }
0x1d6: {  	[tilespmem:v5+s21+$0x0] =	vst.idx.add.f32.msk vm6, v11;
	s1 =	ssub.s32 @!p0 s1, s3  }
0x1d7: {  	[tilespmem:v2+s21+$0x0] =	vst.idx.add.f32.msk vm1, v12;
	s1 =	smul.u32 @!p0 $0xC00, s1  }
0x1d8: {  	s3 =	rddreg [dreg:$0x5]  }
0x1d9: {  	s14 =	simm.s32 $0x2;
	s12 =	simm.s32 $0x0;
	s3 =	sadd.s32 @!p0 s3, s1  }
0x1da: {  	s4 =	rddreg [dreg:$0x1];
	s9 =	sor.u32 $0x7, s12;
	[tilespmem:v3+s21+$0x0] =	vst.idx.add.f32.msk vm2, v13;
	s3 =	sshrl.u32 @!p0 s3, $0x3  }
0x1db: {  	s6 =	smul.u32 $0xAB, s12;
	[tilespmem:v4+s21+$0x0] =	vst.idx.add.f32.msk vm3, v14;
	s3 =	sadd.s32 @!p0 s4, s3;
	s4 =	simm.s32 @!p0 $0x0  }
0x1dc: {  	[tilespmem:s4], [sflag:$0x1] =	stream.linear.gather @!p0 [hbm4b:s3+s4], $0xC00, $0x38;
	[tilespmem:$0x14C00] =	vst v63  }
0x1dd: {  	s5 =	sand.u32 $0xFF, s9;
	s7 =	simm.s32 @!p0 $0x24000;
	s3 =	rddreg [dreg:$0x7]  }
0x1de: {  	s8 =	simm.s32 @!p0 $0x1800;
	s5 =	smul.u32 $0xAB, s5;
	s1 =	sadd.s32 @!p0 s3, s1  }
0x1df: {  	s10 =	sshrl.u32 s6, $0xC;
	s3 =	rddreg [dreg:$0x0];
	s1 =	sshrl.u32 @!p0 s1, $0x3  }
0x1e0: {  	s13 =	sshrl.u32 s5, $0x9;
	s4 =	simm.s32 @!p0 $0xC00;
	s1 =	sadd.s32 @!p0 s3, s1  }
0x1e1: {  	[tilespmem:s8], [sflag:$0x1] =	stream.strided.gather @!p0 [hbm4b:s1+s4], $0x9000, s7, s4, $0x38;
	[tilespmem:$0x14C00] =	vst v63  }
0x1e2: {  	s5 =	sand.u32 $0xF, s10;
	s15 =	sand.u32 $0x18, s13;
	_ =	swait.ge [sflag:s14], $0xC00  }
0x1e3: {  	s16 =	sshrl.u32 s5, $0x3;
	s1 =	sadd.s32 s15, s9;
	[sflag:s14] =	ssyncset.done $0x0  }
0x1e4: {  	s4 =	smul.u32 $0xC00, s16;
	s1 =	sshll.u32 s1, $0x7;
	[sflag:s14] =	ssyncadd.s32 $0xFFFFF400  }
0x1e5: {  	s18 =	sshrl.u32 s6, $0x5;
	s19 =	sand.u32 $0xC00, s1;
	_ =	swait.ge [sflag:s14], $0x9000  }
0x1e6: {  	s1 =	sand.u32 $0x380, s18;
	s20 =	sadd.s32 s19, s4;
	[sflag:s14] =	ssyncset.done $0x0  }
0x1e7: {  	s3 =	sor.u32 s1, s20;
	[sflag:s14] =	ssyncadd.s32 $0xFFFF7000  }
0x1e8: {  	v1 =	vld [tilespmem:s3+$0xC70];
	_ =	sdelay $0x2  }
0x1e9: {  	s3 =	sadd.s32 $0x1800, s4  }
0x1ea: {  	s6 =	sadd.s32 s19, s3  }
0x1eb: {  	s9 =	sor.u32 s1, s6;
	vm7 =	vgt.s32 v1, $0xFFFFFFFF  }
0x1ec: {  	v8 =	vand.u32 $0x1FF, v1;
	v1 =	vld [tilespmem:s9+$0x9070];
	_ =	sdelay $0x4  }
0x1ed: {  	[tilespmem:v8+s26+$0x0] =	vst.idx.add.f32.msk vm7, v1  }
0x1ee: {  	v1 =	vld [tilespmem:s9+$0x9C70];
	_ =	sdelay $0x4  }
0x1ef: {  	[tilespmem:v8+s28+$0x0] =	vst.idx.add.f32.msk vm7, v1  }
0x1f0: {  	v1 =	vld [tilespmem:s9+$0xA870];
	_ =	sdelay $0x4  }
0x1f1: {  	[tilespmem:v8+s25+$0x0] =	vst.idx.add.f32.msk vm7, v1  }
0x1f2: {  	v1 =	vld [tilespmem:s9+$0xB470];
	_ =	sdelay $0x4  }
0x1f3: {  	[tilespmem:v8+s23+$0x0] =	vst.idx.add.f32.msk vm7, v1  }
0x1f4: {  	v1 =	vld [tilespmem:s9+$0xC070]  }
0x1f5: {  	s22 =	sor.u32 $0x1, s12  }
0x1f6: {  	s5 =	smul.u32 $0x18, s5;
	s18 =	sand.u32 $0xFF, s22  }
0x1f7: {  	s10 =	sor.u32 $0x3, s12;
	s13 =	sor.u32 $0x4, s12;
	s8 =	smul.u32 $0xAB, s18  }
0x1f8: {  	s5 =	ssub.s32 $0x0, s5;
	s7 =	sor.u32 $0x2, s12;
	s20 =	sand.u32 $0xFF, s10  }
0x1f9: {  	s8 =	sshrl.u32 s8, $0x9;
	s18 =	smul.u32 $0xAB, s20;
	s14 =	sor.u32 $0x5, s12;
	[tilespmem:v8+s24+$0x0] =	vst.idx.add.f32.msk vm7, v1  }
0x1fa: {  	s16 =	sor.u32 $0x6, s12;
	s8 =	sand.u32 $0x18, s8;
	s20 =	sand.u32 $0xFF, s14;
	v1 =	vld [tilespmem:s9+$0xCC70]  }
0x1fb: {  	s18 =	sshrl.u32 s18, $0x9;
	s19 =	sand.u32 $0xFF, s7;
	s20 =	smul.u32 $0xAB, s20  }
0x1fc: {  	s18 =	sand.u32 $0x18, s18;
	s15 =	smul.u32 $0xAB, s19;
	s19 =	sand.u32 $0xFF, s13  }
0x1fd: {  	s6 =	sadd.s32 s8, s22;
	s22 =	sand.u32 $0xFF, s16;
	s19 =	smul.u32 $0xAB, s19  }
0x1fe: {  	s10 =	sadd.s32 s18, s10;
	s8 =	smul.u32 $0xAB, s22;
	s22 =	sshrl.u32 s20, $0x9  }
0x1ff: {  	s6 =	sshll.u32 s6, $0x7;
	s10 =	sshll.u32 s10, $0x7;
	s15 =	sshrl.u32 s15, $0x9;
	[tilespmem:v8+s29+$0x0] =	vst.idx.add.f32.msk vm7, v1  }
0x200: {  	s18 =	sand.u32 $0x18, s22;
	s6 =	sand.u32 $0xC00, s6;
	s10 =	sand.u32 $0xC00, s10;
	v1 =	vld [tilespmem:s9+$0xD870]  }
0x201: {  	s15 =	sand.u32 $0x18, s15;
	s19 =	sshrl.u32 s19, $0x9;
	s8 =	sshrl.u32 s8, $0x9  }
0x202: {  	s7 =	sadd.s32 s15, s7;
	s15 =	sand.u32 $0x18, s19;
	s19 =	sadd.s32 s6, s4  }
0x203: {  	s14 =	sadd.s32 s18, s14;
	s13 =	sadd.s32 s15, s13;
	s15 =	sor.u32 s1, s19  }
0x204: {  	s22 =	sadd.s32 s10, s4;
	s8 =	sand.u32 $0x18, s8;
	s7 =	sshll.u32 s7, $0x7;
	v2 =	vld [tilespmem:s15+$0xC10]  }
0x205: {  	s14 =	sshll.u32 s14, $0x7;
	s7 =	sand.u32 $0xC00, s7;
	s13 =	sshll.u32 s13, $0x7;
	[tilespmem:v8+s30+$0x0] =	vst.idx.add.f32.msk vm7, v1  }
0x206: {  	s15 =	sor.u32 s1, s22;
	s20 =	sadd.s32 s7, s4;
	s13 =	sand.u32 $0xC00, s13;
	v1 =	vld [tilespmem:s9+$0xE470]  }
0x207: {  	s14 =	sand.u32 $0xC00, s14;
	v6 =	vld [tilespmem:s15+$0xC30];
	s18 =	sor.u32 s1, s20;
	s19 =	sadd.s32 s13, s4  }
0x208: {  	s8 =	sadd.s32 s8, s16;
	s20 =	sadd.s32 s14, s4;
	v4 =	vld [tilespmem:s18+$0xC20];
	s15 =	sor.u32 s1, s19  }
0x209: {  	s5 =	sand.u32 $0xFF, s5;
	s8 =	sshll.u32 s8, $0x7;
	s22 =	sor.u32 s1, s20;
	v9 =	vld [tilespmem:s15+$0xC40]  }
0x20a: {  	s5 =	sshll.u32 s5, $0x7;
	s8 =	sand.u32 $0xC00, s8;
	v10 =	vld [tilespmem:s22+$0xC50]  }
0x20b: {  	s5 =	sadd.s32 s5, s4;
	s4 =	sadd.s32 s8, s4;
	[tilespmem:v8+s31+$0x0] =	vst.idx.add.f32.msk vm7, v1  }
0x20c: {  	s4 =	sor.u32 s1, s4;
	s18 =	sadd.s32 s10, s3;
	v1 =	vld [tilespmem:s9+$0xF070]  }
0x20d: {  	v11 =	vld [tilespmem:s4+$0xC60];
	s18 =	sor.u32 s1, s18;
	vm6 =	vgt.s32 v6, $0xFFFFFFFF  }
0x20e: {  	s15 =	sadd.s32 s1, s5;
	s22 =	sadd.s32 s14, s3;
	v16 =	vld [tilespmem:s18+$0x9030];
	v7 =	vand.u32 $0x1FF, v6  }
0x20f: {  	v3 =	vld [tilespmem:s15+$0xC00];
	s22 =	sor.u32 s1, s22;
	vm4 =	vgt.s32 v10, $0xFFFFFFFF  }
0x210: {  	v18 =	vld [tilespmem:s22+$0x9050];
	vm3 =	vgt.s32 v4, $0xFFFFFFFF;
	v5 =	vand.u32 $0x1FF, v4;
	v4 =	vand.u32 $0x1FF, v10  }
0x211: {  	[tilespmem:v8+s2+$0x0] =	vst.idx.add.f32.msk vm7, v1  }
0x212: {  	v1 =	vld [tilespmem:s9+$0xFC70]  }
0x213: {  	[tilespmem:v7+s26+$0x0] =	vst.idx.add.f32.msk vm6, v16  }
0x214: {  	v57 =	vld [tilespmem:s18+$0x9C30]  }
0x215: {  	[tilespmem:v4+s26+$0x0] =	vst.idx.add.f32.msk vm4, v18  }
0x216: {  	v59 =	vld [tilespmem:s22+$0x9C50]  }
0x217: {  	[tilespmem:v8+s0+$0x0] =	vst.idx.add.f32.msk vm7, v1  }
0x218: {  	v1 =	vld [tilespmem:s9+$0x10870]  }
0x219: {  	[tilespmem:v7+s28+$0x0] =	vst.idx.add.f32.msk vm6, v57  }
0x21a: {  	v13 =	vld [tilespmem:s18+$0xA830]  }
0x21b: {  	v55 =	vld [tilespmem:s15+$0xA800]  }
0x21c: {  	[tilespmem:v4+s28+$0x0] =	vst.idx.add.f32.msk vm4, v59  }
0x21d: {  	[tilespmem:v8+s17+$0x0] =	vst.idx.add.f32.msk vm7, v1  }
0x21e: {  	vm0 =	vgt.s32 v3, $0xFFFFFFFF;
	v54 =	vld [tilespmem:s9+$0x11470];
	s9 =	sadd.s32 s6, s3  }
0x21f: {  	s16 =	sadd.s32 s7, s3;
	[tilespmem:v7+s25+$0x0] =	vst.idx.add.f32.msk vm6, v13;
	v1 =	vand.u32 $0x1FF, v3;
	s20 =	sor.u32 s1, s9  }
0x220: {  	s19 =	sadd.s32 s13, s3;
	vm2 =	vgt.s32 v2, $0xFFFFFFFF;
	s9 =	sor.u32 s1, s16;
	v56 =	vld [tilespmem:s20+$0x9010]  }
0x221: {  	v3 =	vand.u32 $0x1FF, v2;
	s3 =	sadd.s32 s8, s3;
	s16 =	sor.u32 s1, s19;
	v15 =	vld [tilespmem:s9+$0x9020]  }
0x222: {  	vm1 =	vgt.s32 v9, $0xFFFFFFFF;
	s4 =	sor.u32 s1, s3;
	v17 =	vld [tilespmem:s16+$0x9040]  }
0x223: {  	vm5 =	vgt.s32 v11, $0xFFFFFFFF;
	v2 =	vand.u32 $0x1FF, v9;
	v9 =	vld [tilespmem:s4+$0x9060]  }
0x224: {  	v6 =	vand.u32 $0x1FF, v11;
	[tilespmem:v1+s26+$0x0] =	vst.idx.add.f32.msk vm0, v55  }
0x225: {  	[tilespmem:v8+s21+$0x0] =	vst.idx.add.f32.msk vm7, v54  }
0x226: {  	[tilespmem:v3+s26+$0x0] =	vst.idx.add.f32.msk vm2, v56  }
0x227: {  	[tilespmem:v5+s26+$0x0] =	vst.idx.add.f32.msk vm3, v15  }
0x228: {  	[tilespmem:v2+s26+$0x0] =	vst.idx.add.f32.msk vm1, v17  }
0x229: {  	[tilespmem:v6+s26+$0x0] =	vst.idx.add.f32.msk vm5, v9  }
0x22a: {  	v9 =	vld [tilespmem:s15+$0xB400]  }
0x22b: {  	v15 =	vld [tilespmem:s22+$0xA850]  }
0x22c: {  	v10 =	vld [tilespmem:s20+$0x9C10]  }
0x22d: {  	v11 =	vld [tilespmem:s9+$0x9C20]  }
0x22e: {  	v58 =	vld [tilespmem:s16+$0x9C40]  }
0x22f: {  	v60 =	vld [tilespmem:s4+$0x9C60]  }
0x230: {  	[tilespmem:v1+s28+$0x0] =	vst.idx.add.f32.msk vm0, v9  }
0x231: {  	[tilespmem:v4+s25+$0x0] =	vst.idx.add.f32.msk vm4, v15  }
0x232: {  	[tilespmem:v3+s28+$0x0] =	vst.idx.add.f32.msk vm2, v10  }
0x233: {  	[tilespmem:v5+s28+$0x0] =	vst.idx.add.f32.msk vm3, v11  }
0x234: {  	[tilespmem:v2+s28+$0x0] =	vst.idx.add.f32.msk vm1, v58  }
0x235: {  	[tilespmem:v6+s28+$0x0] =	vst.idx.add.f32.msk vm5, v60  }
0x236: {  	v9 =	vld [tilespmem:s15+$0xC000]  }
0x237: {  	v62 =	vld [tilespmem:s22+$0xB450]  }
0x238: {  	v10 =	vld [tilespmem:s20+$0xA810]  }
0x239: {  	v11 =	vld [tilespmem:s9+$0xA820]  }
0x23a: {  	v14 =	vld [tilespmem:s16+$0xA840]  }
0x23b: {  	v8 =	vld [tilespmem:s4+$0xA860]  }
0x23c: {  	[tilespmem:v1+s25+$0x0] =	vst.idx.add.f32.msk vm0, v9  }
0x23d: {  	[tilespmem:v4+s23+$0x0] =	vst.idx.add.f32.msk vm4, v62  }
0x23e: {  	[tilespmem:v3+s25+$0x0] =	vst.idx.add.f32.msk vm2, v10  }
0x23f: {  	[tilespmem:v5+s25+$0x0] =	vst.idx.add.f32.msk vm3, v11  }
0x240: {  	[tilespmem:v2+s25+$0x0] =	vst.idx.add.f32.msk vm1, v14  }
0x241: {  	[tilespmem:v6+s25+$0x0] =	vst.idx.add.f32.msk vm5, v8  }
0x242: {  	v8 =	vld [tilespmem:s15+$0xCC00]  }
0x243: {  	v11 =	vld [tilespmem:s18+$0xB430]  }
0x244: {  	v13 =	vld [tilespmem:s22+$0xC050]  }
0x245: {  	v9 =	vld [tilespmem:s20+$0xB410]  }
0x246: {  	v10 =	vld [tilespmem:s9+$0xB420]  }
0x247: {  	v61 =	vld [tilespmem:s16+$0xB440]  }
0x248: {  	v63 =	vld [tilespmem:s4+$0xB460]  }
0x249: {  	[tilespmem:v1+s23+$0x0] =	vst.idx.add.f32.msk vm0, v8  }
0x24a: {  	[tilespmem:v7+s23+$0x0] =	vst.idx.add.f32.msk vm6, v11  }
0x24b: {  	[tilespmem:v4+s24+$0x0] =	vst.idx.add.f32.msk vm4, v13  }
0x24c: {  	[tilespmem:v3+s23+$0x0] =	vst.idx.add.f32.msk vm2, v9  }
0x24d: {  	[tilespmem:v5+s23+$0x0] =	vst.idx.add.f32.msk vm3, v10  }
0x24e: {  	[tilespmem:v2+s23+$0x0] =	vst.idx.add.f32.msk vm1, v61  }
0x24f: {  	[tilespmem:v6+s23+$0x0] =	vst.idx.add.f32.msk vm5, v63  }
0x250: {  	v8 =	vld [tilespmem:s15+$0xD800]  }
0x251: {  	v11 =	vld [tilespmem:s18+$0xC030]  }
0x252: {  	v13 =	vld [tilespmem:s22+$0xCC50]  }
0x253: {  	v9 =	vld [tilespmem:s20+$0xC010]  }
0x254: {  	v10 =	vld [tilespmem:s9+$0xC020]  }
0x255: {  	v12 =	vld [tilespmem:s16+$0xC040]  }
0x256: {  	v14 =	vld [tilespmem:s4+$0xC060]  }
0x257: {  	[tilespmem:v1+s24+$0x0] =	vst.idx.add.f32.msk vm0, v8  }
0x258: {  	[tilespmem:v7+s24+$0x0] =	vst.idx.add.f32.msk vm6, v11  }
0x259: {  	[tilespmem:v4+s29+$0x0] =	vst.idx.add.f32.msk vm4, v13  }
0x25a: {  	[tilespmem:v3+s24+$0x0] =	vst.idx.add.f32.msk vm2, v9  }
0x25b: {  	[tilespmem:v5+s24+$0x0] =	vst.idx.add.f32.msk vm3, v10  }
0x25c: {  	[tilespmem:v2+s24+$0x0] =	vst.idx.add.f32.msk vm1, v12  }
0x25d: {  	[tilespmem:v6+s24+$0x0] =	vst.idx.add.f32.msk vm5, v14  }
0x25e: {  	v8 =	vld [tilespmem:s15+$0xE400]  }
0x25f: {  	v11 =	vld [tilespmem:s18+$0xCC30]  }
0x260: {  	v13 =	vld [tilespmem:s22+$0xD850]  }
0x261: {  	v9 =	vld [tilespmem:s20+$0xCC10]  }
0x262: {  	v10 =	vld [tilespmem:s9+$0xCC20]  }
0x263: {  	v12 =	vld [tilespmem:s16+$0xCC40]  }
0x264: {  	v14 =	vld [tilespmem:s4+$0xCC60]  }
0x265: {  	[tilespmem:v1+s29+$0x0] =	vst.idx.add.f32.msk vm0, v8  }
0x266: {  	[tilespmem:v7+s29+$0x0] =	vst.idx.add.f32.msk vm6, v11  }
0x267: {  	[tilespmem:v4+s30+$0x0] =	vst.idx.add.f32.msk vm4, v13  }
0x268: {  	[tilespmem:v3+s29+$0x0] =	vst.idx.add.f32.msk vm2, v9  }
0x269: {  	[tilespmem:v5+s29+$0x0] =	vst.idx.add.f32.msk vm3, v10  }
0x26a: {  	[tilespmem:v2+s29+$0x0] =	vst.idx.add.f32.msk vm1, v12  }
0x26b: {  	[tilespmem:v6+s29+$0x0] =	vst.idx.add.f32.msk vm5, v14  }
0x26c: {  	v8 =	vld [tilespmem:s15+$0xF000]  }
0x26d: {  	v11 =	vld [tilespmem:s18+$0xD830]  }
0x26e: {  	v13 =	vld [tilespmem:s22+$0xE450]  }
0x26f: {  	v9 =	vld [tilespmem:s20+$0xD810]  }
0x270: {  	v10 =	vld [tilespmem:s9+$0xD820]  }
0x271: {  	v12 =	vld [tilespmem:s16+$0xD840]  }
0x272: {  	v14 =	vld [tilespmem:s4+$0xD860]  }
0x273: {  	[tilespmem:v1+s30+$0x0] =	vst.idx.add.f32.msk vm0, v8  }
0x274: {  	[tilespmem:v7+s30+$0x0] =	vst.idx.add.f32.msk vm6, v11  }
0x275: {  	[tilespmem:v4+s31+$0x0] =	vst.idx.add.f32.msk vm4, v13  }
0x276: {  	[tilespmem:v3+s30+$0x0] =	vst.idx.add.f32.msk vm2, v9  }
0x277: {  	[tilespmem:v5+s30+$0x0] =	vst.idx.add.f32.msk vm3, v10  }
0x278: {  	[tilespmem:v2+s30+$0x0] =	vst.idx.add.f32.msk vm1, v12  }
0x279: {  	[tilespmem:v6+s30+$0x0] =	vst.idx.add.f32.msk vm5, v14  }
0x27a: {  	v8 =	vld [tilespmem:s15+$0xFC00]  }
0x27b: {  	v11 =	vld [tilespmem:s18+$0xE430]  }
0x27c: {  	v13 =	vld [tilespmem:s22+$0xF050]  }
0x27d: {  	v9 =	vld [tilespmem:s20+$0xE410]  }
0x27e: {  	v10 =	vld [tilespmem:s9+$0xE420]  }
0x27f: {  	v12 =	vld [tilespmem:s16+$0xE440]  }
0x280: {  	v14 =	vld [tilespmem:s4+$0xE460]  }
0x281: {  	[tilespmem:v1+s31+$0x0] =	vst.idx.add.f32.msk vm0, v8  }
0x282: {  	[tilespmem:v7+s31+$0x0] =	vst.idx.add.f32.msk vm6, v11  }
0x283: {  	[tilespmem:v4+s2+$0x0] =	vst.idx.add.f32.msk vm4, v13  }
0x284: {  	[tilespmem:v3+s31+$0x0] =	vst.idx.add.f32.msk vm2, v9  }
0x285: {  	[tilespmem:v5+s31+$0x0] =	vst.idx.add.f32.msk vm3, v10  }
0x286: {  	[tilespmem:v2+s31+$0x0] =	vst.idx.add.f32.msk vm1, v12  }
0x287: {  	[tilespmem:v6+s31+$0x0] =	vst.idx.add.f32.msk vm5, v14  }
0x288: {  	v8 =	vld [tilespmem:s15+$0x10800]  }
0x289: {  	v11 =	vld [tilespmem:s18+$0xF030]  }
0x28a: {  	v13 =	vld [tilespmem:s22+$0xFC50]  }
0x28b: {  	v9 =	vld [tilespmem:s20+$0xF010]  }
0x28c: {  	v10 =	vld [tilespmem:s9+$0xF020]  }
0x28d: {  	v12 =	vld [tilespmem:s16+$0xF040]  }
0x28e: {  	v14 =	vld [tilespmem:s4+$0xF060]  }
0x28f: {  	[tilespmem:v1+s2+$0x0] =	vst.idx.add.f32.msk vm0, v8  }
0x290: {  	[tilespmem:v7+s2+$0x0] =	vst.idx.add.f32.msk vm6, v11  }
0x291: {  	[tilespmem:v4+s0+$0x0] =	vst.idx.add.f32.msk vm4, v13  }
0x292: {  	[tilespmem:v3+s2+$0x0] =	vst.idx.add.f32.msk vm2, v9  }
0x293: {  	[tilespmem:v5+s2+$0x0] =	vst.idx.add.f32.msk vm3, v10  }
0x294: {  	[tilespmem:v2+s2+$0x0] =	vst.idx.add.f32.msk vm1, v12  }
0x295: {  	[tilespmem:v6+s2+$0x0] =	vst.idx.add.f32.msk vm5, v14  }
0x296: {  	v8 =	vld [tilespmem:s15+$0x11400]  }
0x297: {  	v11 =	vld [tilespmem:s18+$0xFC30]  }
0x298: {  	v9 =	vld [tilespmem:s20+$0xFC10]  }
0x299: {  	v10 =	vld [tilespmem:s9+$0xFC20]  }
0x29a: {  	v12 =	vld [tilespmem:s16+$0xFC40]  }
0x29b: {  	v14 =	vld [tilespmem:s4+$0xFC60]  }
0x29c: {  	[tilespmem:v1+s0+$0x0] =	vst.idx.add.f32.msk vm0, v8  }
0x29d: {  	[tilespmem:v7+s0+$0x0] =	vst.idx.add.f32.msk vm6, v11  }
0x29e: {  	[tilespmem:v3+s0+$0x0] =	vst.idx.add.f32.msk vm2, v9  }
0x29f: {  	[tilespmem:v5+s0+$0x0] =	vst.idx.add.f32.msk vm3, v10  }
0x2a0: {  	[tilespmem:v2+s0+$0x0] =	vst.idx.add.f32.msk vm1, v12  }
0x2a1: {  	[tilespmem:v6+s0+$0x0] =	vst.idx.add.f32.msk vm5, v14  }
0x2a2: {  	v11 =	vld [tilespmem:s15+$0x12000]  }
0x2a3: {  	v8 =	vld [tilespmem:s18+$0x10830]  }
0x2a4: {  	v10 =	vld [tilespmem:s20+$0x10810]  }
0x2a5: {  	v9 =	vld [tilespmem:s9+$0x10820]  }
.LBB2_7:
0x2a6: {  	s12 =	sadd.s32 $0x8, s12  }
0x2a7: {  	v12 =	vld [tilespmem:s16+$0x10840];
	s13 =	sor.u32 $0x1, s12;
	s19 =	sor.u32 $0x2, s12  }
0x2a8: {  	s1 =	sor.u32 $0x7, s12;
	v13 =	vld [tilespmem:s22+$0x10850];
	s3 =	smul.u32 $0xAB, s12;
	s5 =	sor.u32 $0x3, s12  }
0x2a9: {  	s8 =	sor.u32 $0x4, s12;
	s6 =	sor.u32 $0x5, s12;
	s7 =	sand.u32 $0xFF, s1;
	v14 =	vld [tilespmem:s4+$0x10860]  }
0x2aa: {  	s23 =	sand.u32 $0xFF, s13;
	s24 =	sand.u32 $0xFF, s19;
	s10 =	smul.u32 $0xAB, s7;
	[tilespmem:v1+s17+$0x0] =	vst.idx.add.f32.msk vm0, v11  }
0x2ab: {  	s25 =	sand.u32 $0xFF, s5;
	s28 =	sand.u32 $0xFF, s8;
	s7 =	sor.u32 $0x6, s12;
	[tilespmem:v3+s17+$0x0] =	vst.idx.add.f32.msk vm2, v10  }
0x2ac: {  	s29 =	sand.u32 $0xFF, s6;
	s14 =	sshrl.u32 s3, $0xC;
	s10 =	sshrl.u32 s10, $0x9;
	[tilespmem:v5+s17+$0x0] =	vst.idx.add.f32.msk vm3, v9  }
0x2ad: {  	s23 =	smul.u32 $0xAB, s23;
	s26 =	sand.u32 $0xF, s14;
	s10 =	sand.u32 $0x18, s10;
	[tilespmem:v7+s17+$0x0] =	vst.idx.add.f32.msk vm6, v8  }
0x2ae: {  	s24 =	smul.u32 $0xAB, s24;
	s14 =	sshrl.u32 s26, $0x3;
	s1 =	sadd.s32 s10, s1;
	[tilespmem:v2+s17+$0x0] =	vst.idx.add.f32.msk vm1, v12  }
0x2af: {  	s14 =	smul.u32 $0xC00, s14;
	s10 =	sand.u32 $0xFF, s7;
	s1 =	sshll.u32 s1, $0x7;
	[tilespmem:v4+s17+$0x0] =	vst.idx.add.f32.msk vm4, v13  }
0x2b0: {  	s3 =	sshrl.u32 s3, $0x5;
	s10 =	smul.u32 $0xAB, s10;
	s1 =	sand.u32 $0xC00, s1;
	[tilespmem:v6+s17+$0x0] =	vst.idx.add.f32.msk vm5, v14  }
0x2b1: {  	s3 =	sand.u32 $0x380, s3;
	s30 =	sadd.s32 s1, s14;
	v9 =	vld [tilespmem:s15+$0x12C00];
	s15 =	sshrl.u32 s23, $0x9  }
0x2b2: {  	s23 =	smul.u32 $0xAB, s25;
	s10 =	sshrl.u32 s10, $0x9;
	s25 =	sor.u32 s3, s30  }
0x2b3: {  	s30 =	simm.s32 $0x14130;
	v10 =	vld [tilespmem:s20+$0x11410];
	s15 =	sand.u32 $0x18, s15;
	s20 =	sshrl.u32 s24, $0x9  }
0x2b4: {  	s24 =	smul.u32 $0xAB, s28;
	s28 =	simm.s32 $0x13988;
	v8 =	vld [tilespmem:s25+$0xC70];
	s20 =	sand.u32 $0x18, s20  }
0x2b5: {  	s23 =	sshrl.u32 s23, $0x9;
	s25 =	smul.u32 $0xAB, s29;
	s29 =	simm.s32 $0x13FA8;
	v11 =	vld [tilespmem:s9+$0x11420]  }
0x2b6: {  	s23 =	sand.u32 $0x18, s23;
	s24 =	sshrl.u32 s24, $0x9;
	s9 =	sadd.s32 $0x1800, s14;
	v12 =	vld [tilespmem:s18+$0x11430]  }
0x2b7: {  	s18 =	smul.u32 $0x18, s26;
	s26 =	simm.s32 $0x13800;
	s25 =	sshrl.u32 s25, $0x9;
	v13 =	vld [tilespmem:s16+$0x11440]  }
0x2b8: {  	s10 =	sand.u32 $0x18, s10;
	s1 =	sadd.s32 s1, s9;
	s16 =	sand.u32 $0x18, s24;
	v14 =	vld [tilespmem:s22+$0x11450]  }
0x2b9: {  	s1 =	sor.u32 s3, s1;
	s22 =	sand.u32 $0x18, s25;
	s25 =	simm.s32 $0x13B10;
	vm7 =	vgt.s32 v8, $0xFFFFFFFF;
	v15 =	vld [tilespmem:s4+$0x11460]  }
0x2ba: {  	s13 =	sadd.s32 s15, s13;
	s15 =	sadd.s32 s20, s19;
	s4 =	ssub.s32 s12, s18;
	v8 =	vand.u32 $0x1FF, v8;
	v16 =	vld [tilespmem:s1+$0x9070]  }
0x2bb: {  	s5 =	sadd.s32 s23, s5;
	s8 =	sadd.s32 s16, s8;
	s6 =	sadd.s32 s22, s6;
	[tilespmem:v1+s21+$0x0] =	vst.idx.add.f32.msk vm0, v9  }
0x2bc: {  	s7 =	sadd.s32 s10, s7;
	s13 =	sshll.u32 s13, $0x7;
	s4 =	sand.u32 $0xFF, s4;
	[tilespmem:v3+s21+$0x0] =	vst.idx.add.f32.msk vm2, v10  }
0x2bd: {  	s10 =	sshll.u32 s15, $0x7;
	s5 =	sshll.u32 s5, $0x7;
	s8 =	sshll.u32 s8, $0x7;
	[tilespmem:v5+s21+$0x0] =	vst.idx.add.f32.msk vm3, v11  }
0x2be: {  	s7 =	sshll.u32 s7, $0x7;
	s6 =	sshll.u32 s6, $0x7;
	s4 =	sshll.u32 s4, $0x7;
	[tilespmem:v7+s21+$0x0] =	vst.idx.add.f32.msk vm6, v12  }
0x2bf: {  	s13 =	sand.u32 $0xC00, s13;
	s10 =	sand.u32 $0xC00, s10;
	s5 =	sand.u32 $0xC00, s5;
	[tilespmem:v8+s26+$0x0] =	vst.idx.add.f32.msk vm7, v16  }
0x2c0: {  	s7 =	sand.u32 $0xC00, s7;
	s8 =	sand.u32 $0xC00, s8;
	s6 =	sand.u32 $0xC00, s6;
	v1 =	vld [tilespmem:s1+$0x9C70]  }
0x2c1: {  	s16 =	sadd.s32 s13, s14;
	s18 =	sadd.s32 s10, s14;
	s4 =	sadd.s32 s4, s14;
	[tilespmem:v2+s21+$0x0] =	vst.idx.add.f32.msk vm1, v13  }
0x2c2: {  	s19 =	sadd.s32 s5, s14;
	s20 =	sadd.s32 s8, s14;
	s22 =	sadd.s32 s6, s14;
	[tilespmem:v4+s21+$0x0] =	vst.idx.add.f32.msk vm4, v14  }
0x2c3: {  	s14 =	sadd.s32 s7, s14;
	s15 =	sadd.s32 s3, s4;
	s4 =	sor.u32 s3, s16;
	[tilespmem:v6+s21+$0x0] =	vst.idx.add.f32.msk vm5, v15  }
0x2c4: {  	s19 =	sor.u32 s3, s19;
	s23 =	sor.u32 s3, s20;
	s16 =	sor.u32 s3, s18;
	v2 =	vld [tilespmem:s15+$0xC00]  }
0x2c5: {  	s13 =	sadd.s32 s13, s9;
	s24 =	sor.u32 s3, s22;
	s14 =	sor.u32 s3, s14;
	[tilespmem:v8+s28+$0x0] =	vst.idx.add.f32.msk vm7, v1  }
0x2c6: {  	s10 =	sadd.s32 s10, s9;
	s5 =	sadd.s32 s5, s9;
	s8 =	sadd.s32 s8, s9;
	v3 =	vld [tilespmem:s1+$0xA870]  }
0x2c7: {  	s20 =	sor.u32 s3, s13;
	v4 =	vld [tilespmem:s4+$0xC10];
	s4 =	sadd.s32 s6, s9;
	s6 =	sadd.s32 s7, s9  }
0x2c8: {  	s18 =	sor.u32 s3, s5;
	s9 =	sor.u32 s3, s10;
	v5 =	vld [tilespmem:s16+$0xC20];
	s16 =	sor.u32 s3, s8  }
0x2c9: {  	p1 =	slt.u32 s12, $0xB8;
	s22 =	sor.u32 s3, s4;
	s4 =	sor.u32 s3, s6;
	vm0 =	vgt.s32 v2, $0xFFFFFFFF;
	v1 =	vand.u32 $0x1FF, v2;
	v2 =	vld [tilespmem:s19+$0xC30]  }
0x2ca: {  	s10 =	simm.s32 $0x13C98;
	v6 =	vld [tilespmem:s23+$0xC40]  }
0x2cb: {  	[tilespmem:v8+s25+$0x0] =	vst.idx.add.f32.msk vm7, v3  }
0x2cc: {  	vm2 =	vgt.s32 v4, $0xFFFFFFFF;
	v3 =	vand.u32 $0x1FF, v4;
	v4 =	vld [tilespmem:s1+$0xB470]  }
0x2cd: {  	s23 =	simm.s32 $0x13E20;
	vm3 =	vgt.s32 v5, $0xFFFFFFFF;
	v5 =	vand.u32 $0x1FF, v5;
	v9 =	vld [tilespmem:s24+$0xC50]  }
0x2ce: {  	vm6 =	vgt.s32 v2, $0xFFFFFFFF;
	v7 =	vand.u32 $0x1FF, v2;
	v10 =	vld [tilespmem:s14+$0xC60]  }
0x2cf: {  	v11 =	vld [tilespmem:s15+$0xA800];
	vm1 =	vgt.s32 v6, $0xFFFFFFFF;
	v2 =	vand.u32 $0x1FF, v6  }
0x2d0: {  	v12 =	vld [tilespmem:s20+$0x9010]  }
0x2d1: {  	[tilespmem:v8+s10+$0x0] =	vst.idx.add.f32.msk vm7, v4  }
0x2d2: {  	vm4 =	vgt.s32 v9, $0xFFFFFFFF;
	v4 =	vand.u32 $0x1FF, v9;
	v9 =	vld [tilespmem:s1+$0xC070]  }
0x2d3: {  	v13 =	vld [tilespmem:s9+$0x9020];
	vm5 =	vgt.s32 v10, $0xFFFFFFFF;
	v6 =	vand.u32 $0x1FF, v10  }
0x2d4: {  	v10 =	vld [tilespmem:s18+$0x9030]  }
0x2d5: {  	v14 =	vld [tilespmem:s16+$0x9040]  }
0x2d6: {  	v15 =	vld [tilespmem:s22+$0x9050]  }
0x2d7: {  	[tilespmem:v8+s23+$0x0] =	vst.idx.add.f32.msk vm7, v9  }
0x2d8: {  	v9 =	vld [tilespmem:s1+$0xCC70]  }
0x2d9: {  	v16 =	vld [tilespmem:s4+$0x9060]  }
0x2da: {  	[tilespmem:v1+s26+$0x0] =	vst.idx.add.f32.msk vm0, v11  }
0x2db: {  	[tilespmem:v3+s26+$0x0] =	vst.idx.add.f32.msk vm2, v12  }
0x2dc: {  	[tilespmem:v5+s26+$0x0] =	vst.idx.add.f32.msk vm3, v13  }
0x2dd: {  	[tilespmem:v8+s29+$0x0] =	vst.idx.add.f32.msk vm7, v9  }
0x2de: {  	v9 =	vld [tilespmem:s1+$0xD870]  }
0x2df: {  	[tilespmem:v7+s26+$0x0] =	vst.idx.add.f32.msk vm6, v10  }
0x2e0: {  	[tilespmem:v2+s26+$0x0] =	vst.idx.add.f32.msk vm1, v14  }
0x2e1: {  	[tilespmem:v4+s26+$0x0] =	vst.idx.add.f32.msk vm4, v15  }
0x2e2: {  	[tilespmem:v6+s26+$0x0] =	vst.idx.add.f32.msk vm5, v16  }
0x2e3: {  	[tilespmem:v8+s30+$0x0] =	vst.idx.add.f32.msk vm7, v9  }
0x2e4: {  	v9 =	vld [tilespmem:s1+$0xE470]  }
0x2e5: {  	v10 =	vld [tilespmem:s15+$0xB400]  }
0x2e6: {  	v11 =	vld [tilespmem:s20+$0x9C10]  }
0x2e7: {  	v12 =	vld [tilespmem:s9+$0x9C20]  }
0x2e8: {  	v13 =	vld [tilespmem:s18+$0x9C30]  }
0x2e9: {  	[tilespmem:v8+s31+$0x0] =	vst.idx.add.f32.msk vm7, v9  }
0x2ea: {  	v9 =	vld [tilespmem:s1+$0xF070]  }
0x2eb: {  	v14 =	vld [tilespmem:s16+$0x9C40]  }
0x2ec: {  	v15 =	vld [tilespmem:s22+$0x9C50]  }
0x2ed: {  	v16 =	vld [tilespmem:s4+$0x9C60]  }
0x2ee: {  	[tilespmem:v1+s28+$0x0] =	vst.idx.add.f32.msk vm0, v10  }
0x2ef: {  	[tilespmem:v8+s2+$0x0] =	vst.idx.add.f32.msk vm7, v9  }
0x2f0: {  	v9 =	vld [tilespmem:s1+$0xFC70]  }
0x2f1: {  	[tilespmem:v3+s28+$0x0] =	vst.idx.add.f32.msk vm2, v11  }
0x2f2: {  	[tilespmem:v5+s28+$0x0] =	vst.idx.add.f32.msk vm3, v12  }
0x2f3: {  	[tilespmem:v7+s28+$0x0] =	vst.idx.add.f32.msk vm6, v13  }
0x2f4: {  	[tilespmem:v2+s28+$0x0] =	vst.idx.add.f32.msk vm1, v14  }
0x2f5: {  	[tilespmem:v8+s0+$0x0] =	vst.idx.add.f32.msk vm7, v9  }
0x2f6: {  	v9 =	vld [tilespmem:s1+$0x10870]  }
0x2f7: {  	[tilespmem:v4+s28+$0x0] =	vst.idx.add.f32.msk vm4, v15  }
0x2f8: {  	[tilespmem:v6+s28+$0x0] =	vst.idx.add.f32.msk vm5, v16  }
0x2f9: {  	v10 =	vld [tilespmem:s15+$0xC000]  }
0x2fa: {  	v11 =	vld [tilespmem:s20+$0xA810]  }
0x2fb: {  	[tilespmem:v8+s17+$0x0] =	vst.idx.add.f32.msk vm7, v9  }
0x2fc: {  	v9 =	vld [tilespmem:s1+$0x11470]  }
0x2fd: {  	v12 =	vld [tilespmem:s9+$0xA820]  }
0x2fe: {  	v13 =	vld [tilespmem:s18+$0xA830]  }
0x2ff: {  	v14 =	vld [tilespmem:s16+$0xA840]  }
0x300: {  	v15 =	vld [tilespmem:s22+$0xA850]  }
0x301: {  	[tilespmem:v8+s21+$0x0] =	vst.idx.add.f32.msk vm7, v9  }
0x302: {  	v8 =	vld [tilespmem:s4+$0xA860]  }
0x303: {  	[tilespmem:v1+s25+$0x0] =	vst.idx.add.f32.msk vm0, v10  }
0x304: {  	[tilespmem:v3+s25+$0x0] =	vst.idx.add.f32.msk vm2, v11  }
0x305: {  	[tilespmem:v5+s25+$0x0] =	vst.idx.add.f32.msk vm3, v12  }
0x306: {  	[tilespmem:v7+s25+$0x0] =	vst.idx.add.f32.msk vm6, v13  }
0x307: {  	[tilespmem:v2+s25+$0x0] =	vst.idx.add.f32.msk vm1, v14  }
0x308: {  	[tilespmem:v4+s25+$0x0] =	vst.idx.add.f32.msk vm4, v15  }
0x309: {  	[tilespmem:v6+s25+$0x0] =	vst.idx.add.f32.msk vm5, v8  }
0x30a: {  	v8 =	vld [tilespmem:s15+$0xCC00]  }
0x30b: {  	v9 =	vld [tilespmem:s20+$0xB410]  }
0x30c: {  	v10 =	vld [tilespmem:s9+$0xB420]  }
0x30d: {  	v11 =	vld [tilespmem:s18+$0xB430]  }
0x30e: {  	v12 =	vld [tilespmem:s16+$0xB440]  }
0x30f: {  	v13 =	vld [tilespmem:s22+$0xB450]  }
0x310: {  	v14 =	vld [tilespmem:s4+$0xB460]  }
0x311: {  	[tilespmem:v1+s10+$0x0] =	vst.idx.add.f32.msk vm0, v8  }
0x312: {  	[tilespmem:v3+s10+$0x0] =	vst.idx.add.f32.msk vm2, v9  }
0x313: {  	[tilespmem:v5+s10+$0x0] =	vst.idx.add.f32.msk vm3, v10  }
0x314: {  	[tilespmem:v7+s10+$0x0] =	vst.idx.add.f32.msk vm6, v11  }
0x315: {  	[tilespmem:v2+s10+$0x0] =	vst.idx.add.f32.msk vm1, v12  }
0x316: {  	[tilespmem:v4+s10+$0x0] =	vst.idx.add.f32.msk vm4, v13  }
0x317: {  	[tilespmem:v6+s10+$0x0] =	vst.idx.add.f32.msk vm5, v14  }
0x318: {  	v8 =	vld [tilespmem:s15+$0xD800]  }
0x319: {  	v9 =	vld [tilespmem:s20+$0xC010]  }
0x31a: {  	v10 =	vld [tilespmem:s9+$0xC020]  }
0x31b: {  	v11 =	vld [tilespmem:s18+$0xC030]  }
0x31c: {  	v12 =	vld [tilespmem:s16+$0xC040]  }
0x31d: {  	v13 =	vld [tilespmem:s22+$0xC050]  }
0x31e: {  	v14 =	vld [tilespmem:s4+$0xC060]  }
0x31f: {  	[tilespmem:v1+s23+$0x0] =	vst.idx.add.f32.msk vm0, v8  }
0x320: {  	[tilespmem:v3+s23+$0x0] =	vst.idx.add.f32.msk vm2, v9  }
0x321: {  	[tilespmem:v5+s23+$0x0] =	vst.idx.add.f32.msk vm3, v10  }
0x322: {  	[tilespmem:v7+s23+$0x0] =	vst.idx.add.f32.msk vm6, v11  }
0x323: {  	[tilespmem:v2+s23+$0x0] =	vst.idx.add.f32.msk vm1, v12  }
0x324: {  	[tilespmem:v4+s23+$0x0] =	vst.idx.add.f32.msk vm4, v13  }
0x325: {  	[tilespmem:v6+s23+$0x0] =	vst.idx.add.f32.msk vm5, v14  }
0x326: {  	v8 =	vld [tilespmem:s15+$0xE400]  }
0x327: {  	v9 =	vld [tilespmem:s20+$0xCC10]  }
0x328: {  	v10 =	vld [tilespmem:s9+$0xCC20]  }
0x329: {  	v11 =	vld [tilespmem:s18+$0xCC30]  }
0x32a: {  	v12 =	vld [tilespmem:s16+$0xCC40]  }
0x32b: {  	v13 =	vld [tilespmem:s22+$0xCC50]  }
0x32c: {  	v14 =	vld [tilespmem:s4+$0xCC60]  }
0x32d: {  	[tilespmem:v1+s29+$0x0] =	vst.idx.add.f32.msk vm0, v8  }
0x32e: {  	[tilespmem:v3+s29+$0x0] =	vst.idx.add.f32.msk vm2, v9  }
0x32f: {  	[tilespmem:v5+s29+$0x0] =	vst.idx.add.f32.msk vm3, v10  }
0x330: {  	[tilespmem:v7+s29+$0x0] =	vst.idx.add.f32.msk vm6, v11  }
0x331: {  	[tilespmem:v2+s29+$0x0] =	vst.idx.add.f32.msk vm1, v12  }
0x332: {  	[tilespmem:v4+s29+$0x0] =	vst.idx.add.f32.msk vm4, v13  }
0x333: {  	[tilespmem:v6+s29+$0x0] =	vst.idx.add.f32.msk vm5, v14  }
0x334: {  	v8 =	vld [tilespmem:s15+$0xF000]  }
0x335: {  	v9 =	vld [tilespmem:s20+$0xD810]  }
0x336: {  	v10 =	vld [tilespmem:s9+$0xD820]  }
0x337: {  	v11 =	vld [tilespmem:s18+$0xD830]  }
0x338: {  	v12 =	vld [tilespmem:s16+$0xD840]  }
0x339: {  	v13 =	vld [tilespmem:s22+$0xD850]  }
0x33a: {  	v14 =	vld [tilespmem:s4+$0xD860]  }
0x33b: {  	[tilespmem:v1+s30+$0x0] =	vst.idx.add.f32.msk vm0, v8  }
0x33c: {  	[tilespmem:v3+s30+$0x0] =	vst.idx.add.f32.msk vm2, v9  }
0x33d: {  	[tilespmem:v5+s30+$0x0] =	vst.idx.add.f32.msk vm3, v10  }
0x33e: {  	[tilespmem:v7+s30+$0x0] =	vst.idx.add.f32.msk vm6, v11  }
0x33f: {  	[tilespmem:v2+s30+$0x0] =	vst.idx.add.f32.msk vm1, v12  }
0x340: {  	[tilespmem:v4+s30+$0x0] =	vst.idx.add.f32.msk vm4, v13  }
0x341: {  	[tilespmem:v6+s30+$0x0] =	vst.idx.add.f32.msk vm5, v14  }
0x342: {  	v8 =	vld [tilespmem:s15+$0xFC00]  }
0x343: {  	v9 =	vld [tilespmem:s20+$0xE410]  }
0x344: {  	v10 =	vld [tilespmem:s9+$0xE420]  }
0x345: {  	v11 =	vld [tilespmem:s18+$0xE430]  }
0x346: {  	v12 =	vld [tilespmem:s16+$0xE440]  }
0x347: {  	v13 =	vld [tilespmem:s22+$0xE450]  }
0x348: {  	v14 =	vld [tilespmem:s4+$0xE460]  }
0x349: {  	[tilespmem:v1+s31+$0x0] =	vst.idx.add.f32.msk vm0, v8  }
0x34a: {  	[tilespmem:v3+s31+$0x0] =	vst.idx.add.f32.msk vm2, v9  }
0x34b: {  	[tilespmem:v5+s31+$0x0] =	vst.idx.add.f32.msk vm3, v10  }
0x34c: {  	[tilespmem:v7+s31+$0x0] =	vst.idx.add.f32.msk vm6, v11  }
0x34d: {  	[tilespmem:v2+s31+$0x0] =	vst.idx.add.f32.msk vm1, v12  }
0x34e: {  	[tilespmem:v4+s31+$0x0] =	vst.idx.add.f32.msk vm4, v13  }
0x34f: {  	[tilespmem:v6+s31+$0x0] =	vst.idx.add.f32.msk vm5, v14  }
0x350: {  	v8 =	vld [tilespmem:s15+$0x10800]  }
0x351: {  	v9 =	vld [tilespmem:s20+$0xF010]  }
0x352: {  	v10 =	vld [tilespmem:s9+$0xF020]  }
0x353: {  	v11 =	vld [tilespmem:s18+$0xF030]  }
0x354: {  	v12 =	vld [tilespmem:s16+$0xF040]  }
0x355: {  	v13 =	vld [tilespmem:s22+$0xF050]  }
0x356: {  	v14 =	vld [tilespmem:s4+$0xF060]  }
0x357: {  	[tilespmem:v1+s2+$0x0] =	vst.idx.add.f32.msk vm0, v8  }
0x358: {  	[tilespmem:v3+s2+$0x0] =	vst.idx.add.f32.msk vm2, v9  }
0x359: {  	[tilespmem:v5+s2+$0x0] =	vst.idx.add.f32.msk vm3, v10  }
0x35a: {  	[tilespmem:v7+s2+$0x0] =	vst.idx.add.f32.msk vm6, v11  }
0x35b: {  	[tilespmem:v2+s2+$0x0] =	vst.idx.add.f32.msk vm1, v12  }
0x35c: {  	[tilespmem:v4+s2+$0x0] =	vst.idx.add.f32.msk vm4, v13  }
0x35d: {  	[tilespmem:v6+s2+$0x0] =	vst.idx.add.f32.msk vm5, v14  }
0x35e: {  	v8 =	vld [tilespmem:s15+$0x11400]  }
0x35f: {  	v9 =	vld [tilespmem:s20+$0xFC10]  }
0x360: {  	v10 =	vld [tilespmem:s9+$0xFC20]  }
0x361: {  	v11 =	vld [tilespmem:s18+$0xFC30]  }
0x362: {  	v12 =	vld [tilespmem:s16+$0xFC40]  }
0x363: {  	v13 =	vld [tilespmem:s22+$0xFC50]  }
0x364: {  	v14 =	vld [tilespmem:s4+$0xFC60]  }
0x365: {  	[tilespmem:v1+s0+$0x0] =	vst.idx.add.f32.msk vm0, v8  }
0x366: {  	[tilespmem:v3+s0+$0x0] =	vst.idx.add.f32.msk vm2, v9  }
0x367: {  	[tilespmem:v5+s0+$0x0] =	vst.idx.add.f32.msk vm3, v10  }
0x368: {  	[tilespmem:v7+s0+$0x0] =	vst.idx.add.f32.msk vm6, v11  }
0x369: {  	[tilespmem:v2+s0+$0x0] =	vst.idx.add.f32.msk vm1, v12  }
0x36a: {  	[tilespmem:v4+s0+$0x0] =	vst.idx.add.f32.msk vm4, v13  }
.Ltmp2:
0x36b: {  	[tilespmem:v6+s0+$0x0] =	vst.idx.add.f32.msk vm5, v14;
	(pc) =	sbr.rel @p1 .LBB2_7-.Ltmp2, $4  }
0x36c: {  	v11 =	vld [tilespmem:s15+$0x12000]  }
0x36d: {  	v10 =	vld [tilespmem:s20+$0x10810]  }
0x36e: {  	v9 =	vld [tilespmem:s9+$0x10820]  }
0x36f: {  	v8 =	vld [tilespmem:s18+$0x10830]  }
0x370: {  	_ =	sdelay $0x1  }
0x371: {  	v12 =	vld [tilespmem:s16+$0x10840]  }
0x372: {  	v13 =	vld [tilespmem:s22+$0x10850]  }
0x373: {  	v14 =	vld [tilespmem:s4+$0x10860]  }
0x374: {  	[tilespmem:v1+s17+$0x0] =	vst.idx.add.f32.msk vm0, v11  }
0x375: {  	[tilespmem:v3+s17+$0x0] =	vst.idx.add.f32.msk vm2, v10  }
0x376: {  	v60 =	vld [tilespmem:s15+$0x12C00]  }
0x377: {  	[tilespmem:v5+s17+$0x0] =	vst.idx.add.f32.msk vm3, v9  }
0x378: {  	v61 =	vld [tilespmem:s20+$0x11410]  }
0x379: {  	[tilespmem:v7+s17+$0x0] =	vst.idx.add.f32.msk vm6, v8  }
0x37a: {  	v62 =	vld [tilespmem:s9+$0x11420]  }
0x37b: {  	[tilespmem:v2+s17+$0x0] =	vst.idx.add.f32.msk vm1, v12  }
0x37c: {  	[tilespmem:v4+s17+$0x0] =	vst.idx.add.f32.msk vm4, v13  }
0x37d: {  	[tilespmem:v6+s17+$0x0] =	vst.idx.add.f32.msk vm5, v14  }
0x37e: {  	v63 =	vld [tilespmem:s18+$0x11430]  }
0x37f: {  	v12 =	vld [tilespmem:s16+$0x11440]  }
0x380: {  	v13 =	vld [tilespmem:s22+$0x11450]  }
0x381: {  	v14 =	vld [tilespmem:s4+$0x11460]  }
0x382: {  	[tilespmem:v1+s21+$0x0] =	vst.idx.add.f32.msk vm0, v60  }
0x383: {  	[tilespmem:v3+s21+$0x0] =	vst.idx.add.f32.msk vm2, v61  }
.Ltmp3:
0x384: {  	[tilespmem:v5+s21+$0x0] =	vst.idx.add.f32.msk vm3, v62;
	(pc) =	sbr.rel @p0 .LBB2_9-.Ltmp3, $4  }
0x385: {  	[tilespmem:v7+s21+$0x0] =	vst.idx.add.f32.msk vm6, v63  }
0x386: {  	[tilespmem:v2+s21+$0x0] =	vst.idx.add.f32.msk vm1, v12  }
0x387: {  	[tilespmem:v4+s21+$0x0] =	vst.idx.add.f32.msk vm4, v13  }
0x388: {  	[tilespmem:v6+s21+$0x0] =	vst.idx.add.f32.msk vm5, v14  }
0x389: {  	s1 =	rddreg [dreg:$0xd]  }
0x38a: {  	s1 =	sadd.s32 s11, s1  }
0x38b: {  	s3 =	smulhi.u32 $0x2AAAAAAB, s1;
	_ =	sdelay $0x1  }
0x38c: {  	s3 =	sshrl.u32 s3, $0x3  }
0x38d: {  	s3 =	smul.u32 $0x30, s3;
	_ =	sdelay $0x1  }
0x38e: {  	s1 =	ssub.s32 s1, s3  }
0x38f: {  	s1 =	smul.u32 $0xC00, s1  }
0x390: {  	s15 =	rddreg [dreg:$0x5]  }
0x391: {  	s4 =	rddreg [dreg:$0x1];
	s16 =	simm.s32 $0x0;
	s3 =	sadd.s32 s15, s1  }
0x392: {  	s5 =	simm.s32 $0xC00;
	s18 =	rddreg [dreg:$0x7];
	s3 =	sshrl.u32 s3, $0x3  }
0x393: {  	s19 =	rddreg [dreg:$0x0];
	s1 =	sadd.s32 s18, s1;
	s3 =	sadd.s32 s4, s3  }
0x394: {  	[tilespmem:s5], [sflag:$0x2] =	stream.linear.gather [hbm4b:s3+s16], $0xC00, $0x38;
	[tilespmem:$0x14C00] =	vst v63  }
.Ltmp4:
0x395: {  	s20 =	simm.s32 $0x24000;
	s1 =	sshrl.u32 s1, $0x3;
	(pc) =	sbr.rel .LBB2_4-.Ltmp4, $4  }
0x396: {  	s22 =	simm.s32 $0xA800;
	s24 =	rddreg [dreg:$0x11];
	s1 =	sadd.s32 s19, s1  }
0x397: {  	[tilespmem:s22], [sflag:$0x2] =	stream.strided.gather [hbm4b:s1+s5], $0x9000, s20, s5, $0x38;
	[tilespmem:$0x14C00] =	vst v63  }
0x398: {  	s1 =	sadd.s32 $0x1, s24  }
0x399: {  	[dreg:$0x11] =	wrdreg s1  }
.LBB2_9:
0x39a: {  	s3 =	simm.s32 $0x0  }
0x39b: {  	s3 =	smul.u32 $0xAAAB, s3;
	_ =	sdelay $0x1  }
0x39c: {  	s3 =	sshrl.u32 s3, $0x14  }
0x39d: {  	s4 =	smul.u32 $0x18, s3;
	_ =	sdelay $0x1  }
0x39e: {  	s4 =	ssub.s32 $0x0, s4  }
0x39f: {  	s4 =	sshll.u32 s4, $0x4  }
0x3a0: {  	s4 =	sand.u32 $0xFFF0, s4  }
0x3a1: {  	v1 =	vld [tilespmem:s4+$0x14A80];
	_ =	sdelay $0x4  }
0x3a2: {  	(erf) = vrcp.f32 v1  }
0x3a3: {  	s3 =	smul.u32 $0x620, s3;
	_ =	sdelay $0x1  }
0x3a4: {  	s3 =	sshrl.u32 s3, $0x2  }
0x3a5: {  	s5 =	simm.s32 $0x1;
	s3 =	sadd.s32 s4, s3  }
0x3a6: {  	s20 =	smul.u32 $0xAAAB, s5;
	v1 =	vld [tilespmem:s3+$0x13800];
	_ =	sdelay $0x1  }
0x3a7: {  	s22 =	sshrl.u32 s20, $0x14  }
0x3a8: {  	s4 =	smul.u32 $0x18, s22  }
0x3a9: {  	v2 =	vpop (erf)  }
0x3aa: {  	s4 =	ssub.s32 $0x1, s4;
	v1 =	vmul.f32 v2, v1  }
0x3ab: {  	s1 =	simm.s32 $0x13800;
	s4 =	sshll.u32 s4, $0x4  }
0x3ac: {  	s4 =	sand.u32 $0xFFF0, s4;
	[tilespmem:s1+$0x0] =	vst v1  }
0x3ad: {  	v1 =	vld [tilespmem:s4+$0x14A80];
	_ =	sdelay $0x4  }
0x3ae: {  	(erf) = vrcp.f32 v1  }
0x3af: {  	s3 =	smul.u32 $0x620, s22;
	_ =	sdelay $0x1  }
0x3b0: {  	s24 =	sshrl.u32 s3, $0x2  }
0x3b1: {  	s3 =	simm.s32 $0x2;
	s6 =	sadd.s32 s4, s24  }
0x3b2: {  	s5 =	smul.u32 $0xAAAB, s3;
	s4 =	simm.s32 $0x3;
	v1 =	vld [tilespmem:s6+$0x13800]  }
.LBB2_10:
0x3b3: {  	p0 =	sne.s32 s4, $0x11F  }
0x3b4: {  	s5 =	sshrl.u32 s5, $0x14  }
0x3b5: {  	s6 =	smul.u32 $0x18, s5  }
0x3b6: {  	v2 =	vpop (erf)  }
0x3b7: {  	s6 =	ssub.s32 s3, s6;
	v1 =	vmul.f32 v2, v1;
	s3 =	smov.u32 s4  }
0x3b8: {  	s1 =	sadd.s32 $0x10, s1;
	s6 =	sshll.u32 s6, $0x4  }
0x3b9: {  	s6 =	sand.u32 $0xFFF0, s6;
	[tilespmem:s1+$0x0] =	vst v1  }
0x3ba: {  	v1 =	vld [tilespmem:s6+$0x14A80];
	_ =	sdelay $0x4  }
0x3bb: {  	s5 =	smul.u32 $0x620, s5;
	(erf) = vrcp.f32 v1  }
.Ltmp5:
0x3bc: {  	(pc) =	sbr.rel @p0 .LBB2_10-.Ltmp5, $4  }
0x3bd: {  	_ = 	snop  }
0x3be: {  	s5 =	sshrl.u32 s5, $0x2  }
0x3bf: {  	s6 =	sadd.s32 s6, s5  }
0x3c0: {  	s4 =	sadd.s32 $0x1, s4;
	s5 =	smul.u32 $0xAAAB, s3;
	v1 =	vld [tilespmem:s6+$0x13800]  }
0x3c1: {  	_ = 	snop  }
0x3c2: {  	s4 =	sshrl.u32 s5, $0x14  }
0x3c3: {  	s5 =	smul.u32 $0x18, s4  }
0x3c4: {  	v2 =	vpop (erf)  }
0x3c5: {  	s3 =	ssub.s32 s3, s5;
	v1 =	vmul.f32 v2, v1  }
0x3c6: {  	s1 =	sadd.s32 $0x10, s1;
	s3 =	sshll.u32 s3, $0x4  }
0x3c7: {  	s3 =	sand.u32 $0xFFF0, s3;
	[tilespmem:s1+$0x0] =	vst v1  }
0x3c8: {  	v1 =	vld [tilespmem:s3+$0x14A80];
	_ =	sdelay $0x4  }
0x3c9: {  	(erf) = vrcp.f32 v1  }
0x3ca: {  	s4 =	smul.u32 $0x620, s4;
	_ =	sdelay $0x1  }
0x3cb: {  	s4 =	sshrl.u32 s4, $0x2  }
0x3cc: {  	s3 =	sadd.s32 s3, s4  }
0x3cd: {  	v1 =	vld [tilespmem:s3+$0x13800];
	_ =	sdelay $0x3  }
0x3ce: {  	v2 =	vpop (erf)  }
0x3cf: {  	v1 =	vmul.f32 v2, v1  }
0x3d0: {  	s1 =	sadd.s32 $0x10, s1  }
0x3d1: {  	s19 =	simm.s32 $0x0;
	s20 =	rddreg [dreg:$0xe];
	s4 =	simm.s32 $0x3;
	[tilespmem:s1+$0x0] =	vst v1  }
0x3d2: {  	[hbm4b:s20+s19] =	stream.linear.scatter [tilespmem:s26], [sflag:$0x3], $0x1200, $0x38;
	[tilespmem:$0x14C00] =	vst v63  }
0x3d3: {  	_ =	swait.ge [sflag:s4], $0x1200  }
0x3d4: {  	s22 =	rddreg [dreg:$0x10]  }
0x3d5: {  	s24 =	rddreg [dreg:$0xf];
	s3 =	sadd.s32 $0x1, s22  }
0x3d6: {  	p0 =	sne.s32 s3, s24  }
.Ltmp6:
0x3d7: {  	_ = 	snop;
	(pc) =	sbr.rel @p0 .LBB2_1-.Ltmp6, $3  }
0x3d8: {  	_ =	sdelay $0x1  }
0x3d9: {  	[sflag:s4] =	ssyncset.done $0x0  }
0x3da: {  	[sflag:s4] =	ssyncadd.s32 $0xFFFFEE00  }
0x3db: {  	_ =	sfence.sel $0x180000  }
0x3dc: {  	[bflag:$0x0] =	sbarrier.arrive $0xFFFF  }
0x3dd: {  	_ =	strace $0x90000047  }
0x3de: {  	s0 =	stileid.u32;
	[bflag:$0x2] =	sbarrier.arrive $0xFFFF  }
0x3df: {  	p0 =	sne.s32 s0, $0x0;
	s0 =	rddreg [dreg:$0x4]  }
0x3e0: {  	s0 =	sadd.s32 @!p0 $0x100000, s0  }
0x3e1: {  	[sflag:s0] =	ssyncadd.tile.s32 @!p0 $0x1;
	_ =	shalt  }
.Lfunc_end2:
_tile_overlayer_lowered:
.L_overlay_start_2:
0x3e2: {  	(tag) =	ssettag $0x2  }
0x3e3: {  	s0 =	rddreg [dreg:$0x0];
	s2 =	stileid.u32  }
0x3e4: {  	s1 =	rddreg [dreg:$0x1];
	p0 =	sne.s32 s2, $0x0  }
0x3e5: {  	s3 =	rddreg [dreg:$0x2];
	[bflag:$0x3] =	sbarrier.arrive $0xFFFF;
	s2 =	simm.s32 @!p0 $0x1C03  }
0x3e6: {  	[timem:s3], [sflag:s2] =	dma.local @!p0 [hbm:s0], s1  }
0x3e7: {  	s0 =	simm.s32 @!p0 $0x3  }
0x3e8: {  	_ =	swait.ge @!p0 [sflag:s0], s1  }
0x3e9: {  	s1 =	ssub.s32 @!p0 $0x0, s1;
	[sflag:s0] =	ssyncset.done @!p0 $0x0  }
0x3ea: {  	[sflag:s0] =	ssyncadd.s32 @!p0 s1  }
0x3eb: {  	[bflag:$0x3] =	sbarrier.arrive $0xFFFF  }
0x3ec: {  	_ =	shalt  }

</sc_bundles>
